<compile_context>
chip_gen: v7x
topology: tpu7x:2x2x1
jax: 0.10.2.dev20260603
libtpu: 0.0.44.dev20260713+nightly
codegen_flags: <defaults>
</compile_context>

<pallas_src>
import jax
import jax.numpy as jnp
from jax import lax
from jax.experimental import pallas as pl
from jax.experimental.pallas import tpu as pltpu
from jax.experimental.pallas import tpu_sc as plsc

_DET_THRESH = 0.5


def _dense_kernel(obj_ref, oi_ref, pxy_ref, gtt_ref, gidcol_ref, pxyt_ref, gtb_ref,
                  dist_ref, distt_ref, score_ref, gt0_ref, ob0_ref,
                  db0_ref, cm_ref, ca_ref, rp_ref):
    P = pxy_ref.shape[0]
    M = gtt_ref.shape[1]
    PPAD = pxyt_ref.shape[1]
    MPAD = cm_ref.shape[0]
    INF = jnp.float32(jnp.inf)
    i32 = jnp.int32
    BIG = jnp.int32(2**30)

    x = pxy_ref[:, 0:1]
    y = pxy_ref[:, 1:2]
    gx = gtt_ref[0:1, :]
    gy = gtt_ref[1:2, :]
    dist_ref[...] = (x - gx) ** 2 + (y - gy) ** 2

    xt = pxyt_ref[0:1, :]
    yt = pxyt_ref[1:2, :]
    gxc = gtb_ref[:, 0:1]
    gyc = gtb_ref[:, 1:2]
    lane_mp = lax.broadcasted_iota(i32, (M, PPAD), 1)
    dist_t = jnp.where(lane_mp < P, (gxc - xt) ** 2 + (gyc - yt) ** 2, INF)
    distt_ref[...] = dist_t

    eq_t = (gidcol_ref[...] == oi_ref[...]) & (lane_mp < P)
    j_iota = lax.broadcasted_iota(i32, (M, PPAD), 0)
    firstj = jnp.min(jnp.where(eq_t, j_iota, M), axis=0, keepdims=True)
    has_pr = firstj < M
    a_gt0 = jnp.max(eq_t.astype(i32), axis=1, keepdims=True) > 0

    lane_row = lax.broadcasted_iota(i32, (1, PPAD), 1)
    rowpen = jnp.where(has_pr | (lane_row >= P), INF, jnp.float32(0.0))
    rp_ref[...] = rowpen.reshape(PPAD)

    d0 = dist_t + rowpen
    cmraw = jnp.min(d0, axis=1, keepdims=True)
    ca_col = jnp.min(jnp.where(d0 == cmraw, lane_mp, BIG),
                     axis=1, keepdims=True)
    cm_col = jnp.where(a_gt0, INF, cmraw)
    cm_row = jnp.transpose(cm_col)
    ca_row = jnp.transpose(ca_col).astype(i32)
    cm_ref[pl.ds(0, M)] = cm_row.reshape(M)
    cm_ref[pl.ds(M, MPAD - M)] = jnp.full((MPAD - M,), INF)
    ca_ref[pl.ds(0, M)] = ca_row.reshape(M)
    ca_ref[pl.ds(M, MPAD - M)] = jnp.full((MPAD - M,), BIG, i32)

    gt0_ref[...] = jnp.where(has_pr, firstj,
                             jnp.int32(-1)).astype(i32).reshape(PPAD)
    ob0_ref[...] = jnp.where(lane_row < P, oi_ref[...],
                             jnp.int32(0)).astype(i32).reshape(PPAD)
    db0_ref[...] = (jnp.where(has_pr, jnp.int32(2), jnp.int32(0))
                    + jnp.where(obj_ref[...] > _DET_THRESH,
                                jnp.int32(10), jnp.int32(0))).reshape(PPAD)
    score_ref[...] = jax.nn.sigmoid(obj_ref[:, 0:P]).reshape(P)


def _sc_greedy(cm_hbm, ca_hbm, rp_hbm, distt_hbm, gid_hbm,
               gt0_hbm, ob0_hbm, db0_hbm,
               gt_out, ob_out, db_out,
               cm_v, ca_v, rp_v, gid_v, gt_v, ob_v, db_v, buf_v, dma_sem):
    M = 64
    NB = M // 16
    PPAD = rp_hbm.shape[0]
    PC = PPAD // 16
    INF = jnp.float32(jnp.inf)
    i32 = jnp.int32
    BIG = jnp.int32(2**30)

    @pl.when((lax.axis_index("c") == 0) & (lax.axis_index("s") == 0))
    def _():
        lane = lax.broadcasted_iota(i32, (16,), 0)
        lane0 = lane == 0

        copies = [pltpu.async_copy(s, d, dma_sem)
                  for s, d in ((cm_hbm, cm_v), (ca_hbm, ca_v),
                               (gid_hbm, gid_v), (rp_hbm, rp_v),
                               (gt0_hbm, gt_v), (ob0_hbm, ob_v),
                               (db0_hbm, db_v))]
        for c in copies:
            c.wait()

        def round_body(r, carry):
            cms = [cm_v[pl.ds(16 * b, 16)] for b in range(NB)]
            cas = [ca_v[pl.ds(16 * b, 16)] for b in range(NB)]
            mv = cms[0]
            for b in range(1, NB):
                mv = jnp.minimum(mv, cms[b])
            m = jnp.min(mv)
            kv = jnp.where(cms[0] == m, cas[0] * M + lane, BIG)
            for b in range(1, NB):
                kv = jnp.minimum(
                    kv, jnp.where(cms[b] == m,
                                  cas[b] * M + (lane + 16 * b), BIG))
            k = jnp.min(kv)
            i = k // M
            j = k - i * M

            @pl.when(m < INF)
            def _():
                iv = jnp.full((16,), i, i32)
                jv = jnp.full((16,), j, i32)
                plsc.store_scatter(gt_v, [iv], jv, mask=lane0)
                gidj = plsc.load_gather(gid_v, [jv])
                plsc.store_scatter(ob_v, [iv], gidj, mask=lane0)
                dbi = plsc.load_gather(db_v, [iv])
                plsc.store_scatter(db_v, [iv], dbi + 3, mask=lane0)
                plsc.store_scatter(rp_v, [iv], jnp.full((16,), INF), mask=lane0)
                stale_v = jnp.zeros((16,), i32)
                for b in range(NB):
                    cmb = jnp.where(lane + 16 * b == j, INF, cms[b])
                    cm_v[pl.ds(16 * b, 16)] = cmb
                    stale_v = stale_v + jnp.where(
                        (cas[b] == i) & (cmb < INF),
                        jnp.int32(1), jnp.int32(0))
                n_stale = jnp.max(stale_v)

                @pl.when(n_stale > 0)
                def _():
                    def rescan_col(j2, c2):
                        j2v = jnp.full((16,), j2, i32)
                        cmj = jnp.min(plsc.load_gather(cm_v, [j2v]))
                        caj = jnp.min(plsc.load_gather(ca_v, [j2v]))

                        @pl.when((caj == i) & (cmj < INF))
                        def _():
                            off = pl.multiple_of(j2 * PPAD, 1024)
                            pltpu.sync_copy(distt_hbm.at[pl.ds(off, PPAD)],
                                            buf_v)

                            def scan_chunk(c, mv_av):
                                mv2, av2 = mv_av
                                idx = lane + c * 16
                                v = (plsc.load_gather(buf_v, [idx])
                                     + plsc.load_gather(rp_v, [idx]))
                                lt = v < mv2
                                av3 = jnp.where(lt, idx, av2)
                                mv3 = jnp.where(lt, v, mv2)
                                return (mv3, av3)

                            mvf, avf = lax.fori_loop(
                                jnp.int32(0), jnp.int32(PC), scan_chunk,
                                (jnp.full((16,), INF), jnp.full((16,), BIG, i32)))
                            mcol = jnp.min(mvf)
                            acol = jnp.min(jnp.where(mvf == mcol, avf, BIG))
                            plsc.store_scatter(
                                cm_v, [j2v], jnp.full((16,), mcol), mask=lane0)
                            plsc.store_scatter(
                                ca_v, [j2v], jnp.full((16,), acol, i32),
                                mask=lane0)
                        return c2

                    lax.fori_loop(jnp.int32(0), jnp.int32(M), rescan_col,
                                  jnp.int32(0))

            return carry

        lax.fori_loop(jnp.int32(0), jnp.int32(M), round_body, jnp.int32(0))

        out_copies = [pltpu.async_copy(s, d, dma_sem)
                      for s, d in ((gt_v, gt_out), (ob_v, ob_out),
                                   (db_v, db_out))]
        for c in out_copies:
            c.wait()


def kernel(is_object, position, output_hs, gt_boxes, obj_idx, gt_obj_ids):
    P = obj_idx.shape[0]
    M = gt_obj_ids.shape[0]
    PPAD = -(-P // 1024) * 1024
    MPAD = 1024

    obj = jnp.pad(is_object[-1, 0, :, 0].reshape(1, P),
                  ((0, 0), (0, PPAD - P)))
    oi = jnp.pad(obj_idx.astype(jnp.int32).reshape(1, P),
                 ((0, 0), (0, PPAD - P)), constant_values=-1)
    pxy = position[-1, 0, :, :2]
    pxyt = jnp.pad(pxy.T, ((0, 0), (0, PPAD - P)))
    gtb = gt_boxes[:, :2]
    gtt = gtb.T
    gid32 = gt_obj_ids.astype(jnp.int32)
    gidcol = gid32.reshape(M, 1)
    gid_p = jnp.pad(gid32, (0, MPAD - M))

    (dist, distt, score, gt0_p, ob0_p, db0_p,
     cm_p, ca_p, rp_p) = pl.pallas_call(
        _dense_kernel,
        out_shape=[
            jax.ShapeDtypeStruct((P, M), jnp.float32),
            jax.ShapeDtypeStruct((M, PPAD), jnp.float32),
            jax.ShapeDtypeStruct((P,), jnp.float32),
            jax.ShapeDtypeStruct((PPAD,), jnp.int32),
            jax.ShapeDtypeStruct((PPAD,), jnp.int32),
            jax.ShapeDtypeStruct((PPAD,), jnp.int32),
            jax.ShapeDtypeStruct((MPAD,), jnp.float32),
            jax.ShapeDtypeStruct((MPAD,), jnp.int32),
            jax.ShapeDtypeStruct((PPAD,), jnp.float32),
        ],
    )(obj, oi, pxy, gtt, gidcol, pxyt, gtb)

    distt_flat = distt.reshape(M * PPAD)

    mesh = plsc.VectorSubcoreMesh(core_axis_name="c", subcore_axis_name="s")
    sc_fn = pl.kernel(
        _sc_greedy,
        out_type=[
            jax.ShapeDtypeStruct((PPAD,), jnp.int32),
            jax.ShapeDtypeStruct((PPAD,), jnp.int32),
            jax.ShapeDtypeStruct((PPAD,), jnp.int32),
        ],
        mesh=mesh,
        compiler_params=pltpu.CompilerParams(needs_layout_passes=False),
        scratch_types=[
            pltpu.VMEM((MPAD,), jnp.float32),
            pltpu.VMEM((MPAD,), jnp.int32),
            pltpu.VMEM((PPAD,), jnp.float32),
            pltpu.VMEM((MPAD,), jnp.int32),
            pltpu.VMEM((PPAD,), jnp.int32),
            pltpu.VMEM((PPAD,), jnp.int32),
            pltpu.VMEM((PPAD,), jnp.int32),
            pltpu.VMEM((PPAD,), jnp.float32),
            pltpu.SemaphoreType.DMA,
        ],
    )
    gtidx, objix, dbg = sc_fn(cm_p, ca_p, rp_p, distt_flat, gid_p,
                              gt0_p, ob0_p, db0_p)

    gt_idx = gtidx[:P].astype(jnp.int64)
    obj_ix = objix[:P].astype(jnp.int64)
    dbg = dbg[:P]
    q_ref = position[-1, 0]
    q_emb = output_hs[-1, 0]
    return (score, dist, dbg, gt_idx, obj_ix, q_ref, q_emb)

# --- scband reference (transcript-rebuilt; emitter-appended) ---
"""Pipeline reference for scband-criterion-54786602828067 (READ-ONLY COPY).

The authoritative reference and input builder live on the scoring server;
editing this copy changes nothing except your own understanding.
"""

import jax
jax.config.update("jax_enable_x64", True)
import jax.numpy as jnp
import numpy as np

DET_THRESH = 0.5


def setup_inputs(seed: int = 0) -> dict:
    key = jax.random.key(seed)
    k1, k2, k3, k4, k5 = jax.random.split(key, 5)
    is_object = jax.random.normal(k1, (6, 1, 5000, 1), dtype=jnp.float32)
    position = jax.random.uniform(k2, (6, 1, 5000, 4), dtype=jnp.float32)
    output_hs = jax.random.normal(k3, (6, 1, 5000, 256), dtype=jnp.float32)
    gt_boxes = jax.random.uniform(k4, (64, 4), dtype=jnp.float32)
    obj_idx = jax.random.randint(k5, (5000,), 0, 256, dtype=jnp.int64)
    gt_obj_ids = jnp.arange(64, dtype=jnp.int64)
    return {
        "is_object": is_object,
        "position": position,
        "output_hs": output_hs,
        "gt_boxes": gt_boxes,
        "obj_idx": obj_idx,
        "gt_obj_ids": gt_obj_ids,
    }


def reference(is_object, position, output_hs, gt_boxes, obj_idx, gt_obj_ids):
    P = obj_idx.shape[0]
    M = gt_obj_ids.shape[0]

    # ii, jj = torch.where(obj_idx[:, None] == gt_obj_ids[None]); gt_idx[ii] = jj
    eq = obj_idx[:, None] == gt_obj_ids[None, :]
    has_pr = eq.any(axis=1)
    gt_idx0 = jnp.where(has_pr, jnp.argmax(eq, axis=1).astype(jnp.int64), jnp.int64(-1))
    assigned_gt0 = eq.any(axis=0)
    assigned_pr0 = has_pr

    # debug_assignments: 2 where pre-assigned; slots beyond num_proposals get 1 (none here since P == total)
    debug0 = jnp.where(has_pr, 2, 0).astype(jnp.int32)

    obj = is_object[-1, 0, :P, 0]
    score = jax.nn.sigmoid(obj)

    # pairwise squared xy distance between proposal positions and gt boxes
    xy = position[-1, 0, :P, None, :2]
    gt_xy = gt_boxes[None, :, :2]
    dist = ((xy - gt_xy) ** 2).sum(axis=-1)  # [P, M]

    order = jnp.argsort(dist.reshape(-1))
    ii_all = jnp.floor_divide(order, M)
    jj_all = jnp.mod(order, M)

    def body(k, carry):
        gt_idx, obj_ix, a_gt, a_pr, dbg = carry
        i = ii_all[k]
        j = jj_all[k]
        skip = a_gt[j] | a_pr[i]
        gt_idx = gt_idx.at[i].set(jnp.where(skip, gt_idx[i], j.astype(jnp.int64)))
        obj_ix = obj_ix.at[i].set(jnp.where(skip, obj_ix[i], gt_obj_ids[j]))
        a_gt = a_gt.at[j].set(jnp.where(skip, a_gt[j], True))
        a_pr = a_pr.at[i].set(jnp.where(skip, a_pr[i], True))
        dbg = dbg.at[i].set(jnp.where(skip, dbg[i], jnp.int32(3)))
        return (gt_idx, obj_ix, a_gt, a_pr, dbg)

    gt_idx, obj_ix, a_gt, a_pr, dbg = jax.lax.fori_loop(
        0, P * M, body, (gt_idx0, obj_idx, assigned_gt0, assigned_pr0, debug0)
    )

    dbg = dbg + jnp.where(is_object[-1, 0, :, 0] > DET_THRESH, 10, 0).astype(jnp.int32)

    q_ref = position[-1, 0, :P]
    q_emb = output_hs[-1, 0, :P]

    return (score, dist, dbg, gt_idx, obj_ix, q_ref, q_emb)

if __name__ == "__main__":
    import jax
    _d = setup_inputs()
    print(jax.jit(kernel)(*tuple(_d.values())))

</pallas_src>

<mosaic_0001>
#map = affine_map<(d0, d1) -> (0)>
module attributes {stable_mosaic.version = 14 : i64} {
  func.func @_sc_greedy(%arg0: i32, %arg1: i32, %arg2: memref<1024xf32, #tpu.memory_space<hbm>>, %arg3: memref<1024xi32, #tpu.memory_space<hbm>>, %arg4: memref<5120xf32, #tpu.memory_space<hbm>>, %arg5: memref<327680xf32, #tpu.memory_space<hbm>>, %arg6: memref<1024xi32, #tpu.memory_space<hbm>>, %arg7: memref<5120xi32, #tpu.memory_space<hbm>>, %arg8: memref<5120xi32, #tpu.memory_space<hbm>>, %arg9: memref<5120xi32, #tpu.memory_space<hbm>>, %arg10: memref<5120xi32, #tpu.memory_space<hbm>>, %arg11: memref<5120xi32, #tpu.memory_space<hbm>>, %arg12: memref<5120xi32, #tpu.memory_space<hbm>>, %arg13: memref<1024xf32, #tpu.memory_space<vmem>>, %arg14: memref<1024xi32, #tpu.memory_space<vmem>>, %arg15: memref<5120xf32, #tpu.memory_space<vmem>>, %arg16: memref<1024xi32, #tpu.memory_space<vmem>>, %arg17: memref<5120xi32, #tpu.memory_space<vmem>>, %arg18: memref<5120xi32, #tpu.memory_space<vmem>>, %arg19: memref<5120xi32, #tpu.memory_space<vmem>>, %arg20: memref<5120xf32, #tpu.memory_space<vmem>>, %arg21: memref<!tpu.dma_semaphore, #tpu.memory_space<semaphore_mem>>) attributes {dimension_semantics = [#tpu.dimension_semantics<core_parallel>, #tpu.dimension_semantics<subcore_parallel>], iteration_bounds = array<i64: 2, 16>, scalar_prefetch = 0 : i64, scratch_operands = 9 : i64, tpu.core_type = #tpu.core_type<sc_vector_subcore>, window_params = [{transform_indices = #map}, {transform_indices = #map}, {transform_indices = #map}, {transform_indices = #map}, {transform_indices = #map}, {transform_indices = #map}, {transform_indices = #map}, {transform_indices = #map}, {transform_indices = #map}, {transform_indices = #map}, {transform_indices = #map}]} {
    %eq3A = arith.constant 0 : i32
    %eq3A_0 = arith.cmpi eq, %arg0, %eq3A : i32
    %eq3A_1 = arith.constant 0 : i32
    %eq3A_2 = arith.cmpi eq, %arg1, %eq3A_1 : i32
    %and3A = arith.andi %eq3A_0, %eq3A_2 : i1
    %convert_element_type3A = arith.extui %and3A : i1 to i32
    %cond3A = arith.constant 1073741824 : i32
    %cond3A_3 = arith.constant 0x7F800000 : f32
    %cond3A_4 = arith.constant 0 : i32
    %cond3A_5 = arith.cmpi ne, %convert_element_type3A, %cond3A_4 : i32
    scf.if %cond3A_5 {
      %iota3A = tpu.iota {dimensions = array<i32: 0>} : vector<16xi32>
      %eq3A_6 = arith.constant 0 : i32
      %eq3A_7 = vector.broadcast %eq3A_6 : i32 to vector<16xi32>
      %eq3A_8 = arith.cmpi eq, %iota3A, %eq3A_7 : vector<16xi32>
      tpu.enqueue_dma source(%arg2 : memref<1024xf32, #tpu.memory_space<hbm>>) target(%arg13 : memref<1024xf32, #tpu.memory_space<vmem>>) target_semaphore(%arg21 : memref<!tpu.dma_semaphore, #tpu.memory_space<semaphore_mem>>)
      tpu.enqueue_dma source(%arg3 : memref<1024xi32, #tpu.memory_space<hbm>>) target(%arg14 : memref<1024xi32, #tpu.memory_space<vmem>>) target_semaphore(%arg21 : memref<!tpu.dma_semaphore, #tpu.memory_space<semaphore_mem>>)
      tpu.enqueue_dma source(%arg6 : memref<1024xi32, #tpu.memory_space<hbm>>) target(%arg16 : memref<1024xi32, #tpu.memory_space<vmem>>) target_semaphore(%arg21 : memref<!tpu.dma_semaphore, #tpu.memory_space<semaphore_mem>>)
      tpu.enqueue_dma source(%arg4 : memref<5120xf32, #tpu.memory_space<hbm>>) target(%arg15 : memref<5120xf32, #tpu.memory_space<vmem>>) target_semaphore(%arg21 : memref<!tpu.dma_semaphore, #tpu.memory_space<semaphore_mem>>)
      tpu.enqueue_dma source(%arg7 : memref<5120xi32, #tpu.memory_space<hbm>>) target(%arg17 : memref<5120xi32, #tpu.memory_space<vmem>>) target_semaphore(%arg21 : memref<!tpu.dma_semaphore, #tpu.memory_space<semaphore_mem>>)
      tpu.enqueue_dma source(%arg8 : memref<5120xi32, #tpu.memory_space<hbm>>) target(%arg18 : memref<5120xi32, #tpu.memory_space<vmem>>) target_semaphore(%arg21 : memref<!tpu.dma_semaphore, #tpu.memory_space<semaphore_mem>>)
      tpu.enqueue_dma source(%arg9 : memref<5120xi32, #tpu.memory_space<hbm>>) target(%arg19 : memref<5120xi32, #tpu.memory_space<vmem>>) target_semaphore(%arg21 : memref<!tpu.dma_semaphore, #tpu.memory_space<semaphore_mem>>)
      tpu.wait_dma2 semaphore(%arg21 : memref<!tpu.dma_semaphore, #tpu.memory_space<semaphore_mem>>) src(%arg2 : memref<1024xf32, #tpu.memory_space<hbm>>) dst(%arg13 : memref<1024xf32, #tpu.memory_space<vmem>>)
      tpu.wait_dma2 semaphore(%arg21 : memref<!tpu.dma_semaphore, #tpu.memory_space<semaphore_mem>>) src(%arg3 : memref<1024xi32, #tpu.memory_space<hbm>>) dst(%arg14 : memref<1024xi32, #tpu.memory_space<vmem>>)
      tpu.wait_dma2 semaphore(%arg21 : memref<!tpu.dma_semaphore, #tpu.memory_space<semaphore_mem>>) src(%arg6 : memref<1024xi32, #tpu.memory_space<hbm>>) dst(%arg16 : memref<1024xi32, #tpu.memory_space<vmem>>)
      tpu.wait_dma2 semaphore(%arg21 : memref<!tpu.dma_semaphore, #tpu.memory_space<semaphore_mem>>) src(%arg4 : memref<5120xf32, #tpu.memory_space<hbm>>) dst(%arg15 : memref<5120xf32, #tpu.memory_space<vmem>>)
      tpu.wait_dma2 semaphore(%arg21 : memref<!tpu.dma_semaphore, #tpu.memory_space<semaphore_mem>>) src(%arg7 : memref<5120xi32, #tpu.memory_space<hbm>>) dst(%arg17 : memref<5120xi32, #tpu.memory_space<vmem>>)
      tpu.wait_dma2 semaphore(%arg21 : memref<!tpu.dma_semaphore, #tpu.memory_space<semaphore_mem>>) src(%arg8 : memref<5120xi32, #tpu.memory_space<hbm>>) dst(%arg18 : memref<5120xi32, #tpu.memory_space<vmem>>)
      tpu.wait_dma2 semaphore(%arg21 : memref<!tpu.dma_semaphore, #tpu.memory_space<semaphore_mem>>) src(%arg9 : memref<5120xi32, #tpu.memory_space<hbm>>) dst(%arg19 : memref<5120xi32, #tpu.memory_space<vmem>>)
      %while3A = arith.constant 0 : i32
      %while3A_9 = arith.constant 0 : i32
      %while3A_10 = arith.constant 64 : i32
      %while3A_11 = arith.subi %while3A_10, %while3A_9 : i32
      %while3A_12 = arith.addi %while3A_9, %while3A_11 : i32
      %while3A_13 = arith.constant 1 : i32
      %while3A_14 = arith.divsi %while3A_11, %while3A_13 : i32
      %while3A_15 = arith.muli %while3A_14, %while3A_13 : i32
      %while3A_16 = arith.addi %while3A_9, %while3A_15 : i32
      %while3A_17 = arith.constant 1 : i32
      scf.for %while3A_19 = %while3A_9 to %while3A_16 step %while3A_17  : i32 {
        %get3A = arith.constant 0 : index
        %get3A_20 = tpu.vector_load %arg13[%get3A] {strides = array<i32>} : memref<1024xf32, #tpu.memory_space<vmem>>, vector<16xf32>,
        %get3A_21 = arith.constant 16 : index
        %get3A_22 = tpu.vector_load %arg13[%get3A_21] {strides = array<i32>} : memref<1024xf32, #tpu.memory_space<vmem>>, vector<16xf32>,
        %get3A_23 = arith.constant 32 : index
        %get3A_24 = tpu.vector_load %arg13[%get3A_23] {strides = array<i32>} : memref<1024xf32, #tpu.memory_space<vmem>>, vector<16xf32>,
        %get3A_25 = arith.constant 48 : index
        %get3A_26 = tpu.vector_load %arg13[%get3A_25] {strides = array<i32>} : memref<1024xf32, #tpu.memory_space<vmem>>, vector<16xf32>,
        %get3A_27 = arith.constant 0 : index
        %get3A_28 = tpu.vector_load %arg14[%get3A_27] {strides = array<i32>} : memref<1024xi32, #tpu.memory_space<vmem>>, vector<16xi32>,
        %get3A_29 = arith.constant 16 : index
        %get3A_30 = tpu.vector_load %arg14[%get3A_29] {strides = array<i32>} : memref<1024xi32, #tpu.memory_space<vmem>>, vector<16xi32>,
        %get3A_31 = arith.constant 32 : index
        %get3A_32 = tpu.vector_load %arg14[%get3A_31] {strides = array<i32>} : memref<1024xi32, #tpu.memory_space<vmem>>, vector<16xi32>,
        %get3A_33 = arith.constant 48 : index
        %get3A_34 = tpu.vector_load %arg14[%get3A_33] {strides = array<i32>} : memref<1024xi32, #tpu.memory_space<vmem>>, vector<16xi32>,
        %min3A = arith.minimumf %get3A_20, %get3A_22 : vector<16xf32>
        %min3A_35 = arith.minimumf %min3A, %get3A_24 : vector<16xf32>
        %min3A_36 = arith.minimumf %min3A_35, %get3A_26 : vector<16xf32>
        %reduce_min3A = arith.constant true
        %reduce_min3A_37 = vector.broadcast %reduce_min3A : i1 to vector<16xi1>
        %reduce_min3A_38 = tpu.scan <min>, %min3A_36 masked %reduce_min3A_37 : vector<16xf32>, vector<16xi1> -> vector<16xf32>
        %reduce_min3A_39 = vector.extract %reduce_min3A_38[15] : f32 from vector<16xf32>
        %eq3A_40 = vector.broadcast %reduce_min3A_39 : f32 to vector<16xf32>
        %eq3A_41 = arith.cmpf oeq, %get3A_20, %eq3A_40 : vector<16xf32>
        %mul3A = arith.constant 64 : i32
        %mul3A_42 = vector.broadcast %mul3A : i32 to vector<16xi32>
        %mul3A_43 = arith.muli %get3A_28, %mul3A_42 : vector<16xi32>
        %add3A = arith.addi %mul3A_43, %iota3A : vector<16xi32>
        %broadcast_in_dim3A = vector.broadcast %cond3A : i32 to vector<16xi32>
        %select_n3A = arith.select %eq3A_41, %add3A, %broadcast_in_dim3A : vector<16xi1>, vector<16xi32>
        %eq3A_44 = vector.broadcast %reduce_min3A_39 : f32 to vector<16xf32>
        %eq3A_45 = arith.cmpf oeq, %get3A_22, %eq3A_44 : vector<16xf32>
        %mul3A_46 = arith.constant 64 : i32
        %mul3A_47 = vector.broadcast %mul3A_46 : i32 to vector<16xi32>
        %mul3A_48 = arith.muli %get3A_30, %mul3A_47 : vector<16xi32>
        %add3A_49 = arith.constant 16 : i32
        %add3A_50 = vector.broadcast %add3A_49 : i32 to vector<16xi32>
        %add3A_51 = arith.addi %iota3A, %add3A_50 : vector<16xi32>
        %add3A_52 = arith.addi %mul3A_48, %add3A_51 : vector<16xi32>
        %broadcast_in_dim3A_53 = vector.broadcast %cond3A : i32 to vector<16xi32>
        %select_n3A_54 = arith.select %eq3A_45, %add3A_52, %broadcast_in_dim3A_53 : vector<16xi1>, vector<16xi32>
        %min3A_55 = arith.minsi %select_n3A, %select_n3A_54 : vector<16xi32>
        %eq3A_56 = vector.broadcast %reduce_min3A_39 : f32 to vector<16xf32>
        %eq3A_57 = arith.cmpf oeq, %get3A_24, %eq3A_56 : vector<16xf32>
        %mul3A_58 = arith.constant 64 : i32
        %mul3A_59 = vector.broadcast %mul3A_58 : i32 to vector<16xi32>
        %mul3A_60 = arith.muli %get3A_32, %mul3A_59 : vector<16xi32>
        %add3A_61 = arith.constant 32 : i32
        %add3A_62 = vector.broadcast %add3A_61 : i32 to vector<16xi32>
        %add3A_63 = arith.addi %iota3A, %add3A_62 : vector<16xi32>
        %add3A_64 = arith.addi %mul3A_60, %add3A_63 : vector<16xi32>
        %broadcast_in_dim3A_65 = vector.broadcast %cond3A : i32 to vector<16xi32>
        %select_n3A_66 = arith.select %eq3A_57, %add3A_64, %broadcast_in_dim3A_65 : vector<16xi1>, vector<16xi32>
        %min3A_67 = arith.minsi %min3A_55, %select_n3A_66 : vector<16xi32>
        %eq3A_68 = vector.broadcast %reduce_min3A_39 : f32 to vector<16xf32>
        %eq3A_69 = arith.cmpf oeq, %get3A_26, %eq3A_68 : vector<16xf32>
        %mul3A_70 = arith.constant 64 : i32
        %mul3A_71 = vector.broadcast %mul3A_70 : i32 to vector<16xi32>
        %mul3A_72 = arith.muli %get3A_34, %mul3A_71 : vector<16xi32>
        %add3A_73 = arith.constant 48 : i32
        %add3A_74 = vector.broadcast %add3A_73 : i32 to vector<16xi32>
        %add3A_75 = arith.addi %iota3A, %add3A_74 : vector<16xi32>
        %add3A_76 = arith.addi %mul3A_72, %add3A_75 : vector<16xi32>
        %broadcast_in_dim3A_77 = vector.broadcast %cond3A : i32 to vector<16xi32>
        %select_n3A_78 = arith.select %eq3A_69, %add3A_76, %broadcast_in_dim3A_77 : vector<16xi1>, vector<16xi32>
        %min3A_79 = arith.minsi %min3A_67, %select_n3A_78 : vector<16xi32>
        %reduce_min3A_80 = arith.constant true
        %reduce_min3A_81 = vector.broadcast %reduce_min3A_80 : i1 to vector<16xi1>
        %reduce_min3A_82 = arith.constant -2147483648 : i32
        %reduce_min3A_83 = vector.broadcast %reduce_min3A_82 : i32 to vector<16xi32>
        %reduce_min3A_84 = arith.xori %min3A_79, %reduce_min3A_83 : vector<16xi32>
        %reduce_min3A_85 = tpu.scan <min>, %reduce_min3A_84 masked %reduce_min3A_81 : vector<16xi32>, vector<16xi1> -> vector<16xi32>
        %reduce_min3A_86 = arith.xori %reduce_min3A_85, %reduce_min3A_83 : vector<16xi32>
        %reduce_min3A_87 = vector.extract %reduce_min3A_86[15] : i32 from vector<16xi32>
        %jit3A = arith.constant 64 : i64
        %convert_element_type3A_88 = arith.trunci %jit3A : i64 to i32
        %div3A = arith.divsi %reduce_min3A_87, %convert_element_type3A_88 : i32
        %sign3A = arith.constant 0 : i32
        %sign3A_89 = arith.cmpi sgt, %reduce_min3A_87, %sign3A : i32
        %sign3A_90 = arith.extui %sign3A_89 : i1 to i32
        %sign3A_91 = arith.constant 0 : i32
        %sign3A_92 = arith.cmpi slt, %reduce_min3A_87, %sign3A_91 : i32
        %sign3A_93 = arith.extui %sign3A_92 : i1 to i32
        %sign3A_94 = arith.subi %sign3A_90, %sign3A_93 : i32
        %sign3A_95 = arith.constant 0 : i32
        %sign3A_96 = arith.cmpi sgt, %convert_element_type3A_88, %sign3A_95 : i32
        %sign3A_97 = arith.extui %sign3A_96 : i1 to i32
        %sign3A_98 = arith.constant 0 : i32
        %sign3A_99 = arith.cmpi slt, %convert_element_type3A_88, %sign3A_98 : i32
        %sign3A_100 = arith.extui %sign3A_99 : i1 to i32
        %sign3A_101 = arith.subi %sign3A_97, %sign3A_100 : i32
        %ne3A = arith.cmpi ne, %sign3A_94, %sign3A_101 : i32
        %rem3A = arith.remsi %reduce_min3A_87, %convert_element_type3A_88 : i32
        %ne3A_102 = arith.constant 0 : i32
        %ne3A_103 = arith.cmpi ne, %rem3A, %ne3A_102 : i32
        %and3A_104 = arith.andi %ne3A, %ne3A_103 : i1
        %sub3A = arith.constant 1 : i32
        %sub3A_105 = arith.subi %div3A, %sub3A : i32
        %select_n3A_106 = arith.select %and3A_104, %sub3A_105, %div3A : i32
        %mul3A_107 = arith.constant 64 : i32
        %mul3A_108 = arith.muli %select_n3A_106, %mul3A_107 : i32
        %sub3A_109 = arith.subi %reduce_min3A_87, %mul3A_108 : i32
        %lt3A = arith.cmpf olt, %reduce_min3A_39, %cond3A_3 : f32
        %convert_element_type3A_110 = arith.extui %lt3A : i1 to i32
        %cond3A_111 = arith.constant 0 : i32
        %cond3A_112 = arith.cmpi ne, %convert_element_type3A_110, %cond3A_111 : i32
        scf.if %cond3A_112 {
          %broadcast_in_dim3A_113 = vector.broadcast %select_n3A_106 : i32 to vector<16xi32>
          %broadcast_in_dim3A_114 = vector.broadcast %sub3A_109 : i32 to vector<16xi32>
          tpu.vector_store_idx %arg17[%broadcast_in_dim3A_113], %broadcast_in_dim3A_114 masked %eq3A_8 : memref<5120xi32, #tpu.memory_space<vmem>>[vector<16xi32>], vector<16xi32>, vector<16xi1>
          %gather3A = tpu.vector_load_idx %arg16[%broadcast_in_dim3A_114] : memref<1024xi32, #tpu.memory_space<vmem>>[vector<16xi32>], vector<16xi32>,
          tpu.vector_store_idx %arg18[%broadcast_in_dim3A_113], %gather3A masked %eq3A_8 : memref<5120xi32, #tpu.memory_space<vmem>>[vector<16xi32>], vector<16xi32>, vector<16xi1>
          %gather3A_115 = tpu.vector_load_idx %arg19[%broadcast_in_dim3A_113] : memref<5120xi32, #tpu.memory_space<vmem>>[vector<16xi32>], vector<16xi32>,
          %add3A_116 = arith.constant 3 : i32
          %add3A_117 = vector.broadcast %add3A_116 : i32 to vector<16xi32>
          %add3A_118 = arith.addi %gather3A_115, %add3A_117 : vector<16xi32>
          tpu.vector_store_idx %arg19[%broadcast_in_dim3A_113], %add3A_118 masked %eq3A_8 : memref<5120xi32, #tpu.memory_space<vmem>>[vector<16xi32>], vector<16xi32>, vector<16xi1>
          %broadcast_in_dim3A_119 = vector.broadcast %cond3A_3 : f32 to vector<16xf32>
          tpu.vector_store_idx %arg15[%broadcast_in_dim3A_113], %broadcast_in_dim3A_119 masked %eq3A_8 : memref<5120xf32, #tpu.memory_space<vmem>>[vector<16xi32>], vector<16xf32>, vector<16xi1>
          %broadcast_in_dim3A_120 = arith.constant 0 : i32
          %broadcast_in_dim3A_121 = vector.broadcast %broadcast_in_dim3A_120 : i32 to vector<16xi32>
          %add3A_122 = arith.constant 0 : i32
          %add3A_123 = vector.broadcast %add3A_122 : i32 to vector<16xi32>
          %add3A_124 = arith.addi %iota3A, %add3A_123 : vector<16xi32>
          %eq3A_125 = vector.broadcast %sub3A_109 : i32 to vector<16xi32>
          %eq3A_126 = arith.cmpi eq, %add3A_124, %eq3A_125 : vector<16xi32>
          %broadcast_in_dim3A_127 = vector.broadcast %cond3A_3 : f32 to vector<16xf32>
          %select_n3A_128 = arith.select %eq3A_126, %broadcast_in_dim3A_127, %get3A_20 : vector<16xi1>, vector<16xf32>
          %swap3A = arith.constant 0 : index
          %swap3A_129 = tpu.vector_load %arg13[%swap3A] {strides = array<i32>} : memref<1024xf32, #tpu.memory_space<vmem>>, vector<16xf32>,
          tpu.vector_store %arg13[%swap3A], %select_n3A_128 {strides = array<i32>} : memref<1024xf32, #tpu.memory_space<vmem>>, vector<16xf32>,
          %eq3A_130 = vector.broadcast %select_n3A_106 : i32 to vector<16xi32>
          %eq3A_131 = arith.cmpi eq, %get3A_28, %eq3A_130 : vector<16xi32>
          %lt3A_132 = vector.broadcast %cond3A_3 : f32 to vector<16xf32>
          %lt3A_133 = arith.cmpf olt, %select_n3A_128, %lt3A_132 : vector<16xf32>
          %and3A_134 = arith.andi %eq3A_131, %lt3A_133 : vector<16xi1>
          %jit3A_135 = arith.constant 1 : i32
          %jit3A_136 = arith.constant 0 : i32
          %broadcast_in_dim3A_137 = vector.broadcast %jit3A_135 : i32 to vector<16xi32>
          %broadcast_in_dim3A_138 = vector.broadcast %jit3A_136 : i32 to vector<16xi32>
          %select_n3A_139 = arith.select %and3A_134, %broadcast_in_dim3A_137, %broadcast_in_dim3A_138 : vector<16xi1>, vector<16xi32>
          %add3A_140 = arith.addi %broadcast_in_dim3A_121, %select_n3A_139 : vector<16xi32>
          %add3A_141 = arith.constant 16 : i32
          %add3A_142 = vector.broadcast %add3A_141 : i32 to vector<16xi32>
          %add3A_143 = arith.addi %iota3A, %add3A_142 : vector<16xi32>
          %eq3A_144 = vector.broadcast %sub3A_109 : i32 to vector<16xi32>
          %eq3A_145 = arith.cmpi eq, %add3A_143, %eq3A_144 : vector<16xi32>
          %broadcast_in_dim3A_146 = vector.broadcast %cond3A_3 : f32 to vector<16xf32>
          %select_n3A_147 = arith.select %eq3A_145, %broadcast_in_dim3A_146, %get3A_22 : vector<16xi1>, vector<16xf32>
          %swap3A_148 = arith.constant 16 : index
          %swap3A_149 = tpu.vector_load %arg13[%swap3A_148] {strides = array<i32>} : memref<1024xf32, #tpu.memory_space<vmem>>, vector<16xf32>,
          tpu.vector_store %arg13[%swap3A_148], %select_n3A_147 {strides = array<i32>} : memref<1024xf32, #tpu.memory_space<vmem>>, vector<16xf32>,
          %eq3A_150 = vector.broadcast %select_n3A_106 : i32 to vector<16xi32>
          %eq3A_151 = arith.cmpi eq, %get3A_30, %eq3A_150 : vector<16xi32>
          %lt3A_152 = vector.broadcast %cond3A_3 : f32 to vector<16xf32>
          %lt3A_153 = arith.cmpf olt, %select_n3A_147, %lt3A_152 : vector<16xf32>
          %and3A_154 = arith.andi %eq3A_151, %lt3A_153 : vector<16xi1>
          %jit3A_155 = arith.constant 1 : i32
          %jit3A_156 = arith.constant 0 : i32
          %broadcast_in_dim3A_157 = vector.broadcast %jit3A_155 : i32 to vector<16xi32>
          %broadcast_in_dim3A_158 = vector.broadcast %jit3A_156 : i32 to vector<16xi32>
          %select_n3A_159 = arith.select %and3A_154, %broadcast_in_dim3A_157, %broadcast_in_dim3A_158 : vector<16xi1>, vector<16xi32>
          %add3A_160 = arith.addi %add3A_140, %select_n3A_159 : vector<16xi32>
          %add3A_161 = arith.constant 32 : i32
          %add3A_162 = vector.broadcast %add3A_161 : i32 to vector<16xi32>
          %add3A_163 = arith.addi %iota3A, %add3A_162 : vector<16xi32>
          %eq3A_164 = vector.broadcast %sub3A_109 : i32 to vector<16xi32>
          %eq3A_165 = arith.cmpi eq, %add3A_163, %eq3A_164 : vector<16xi32>
          %broadcast_in_dim3A_166 = vector.broadcast %cond3A_3 : f32 to vector<16xf32>
          %select_n3A_167 = arith.select %eq3A_165, %broadcast_in_dim3A_166, %get3A_24 : vector<16xi1>, vector<16xf32>
          %swap3A_168 = arith.constant 32 : index
          %swap3A_169 = tpu.vector_load %arg13[%swap3A_168] {strides = array<i32>} : memref<1024xf32, #tpu.memory_space<vmem>>, vector<16xf32>,
          tpu.vector_store %arg13[%swap3A_168], %select_n3A_167 {strides = array<i32>} : memref<1024xf32, #tpu.memory_space<vmem>>, vector<16xf32>,
          %eq3A_170 = vector.broadcast %select_n3A_106 : i32 to vector<16xi32>
          %eq3A_171 = arith.cmpi eq, %get3A_32, %eq3A_170 : vector<16xi32>
          %lt3A_172 = vector.broadcast %cond3A_3 : f32 to vector<16xf32>
          %lt3A_173 = arith.cmpf olt, %select_n3A_167, %lt3A_172 : vector<16xf32>
          %and3A_174 = arith.andi %eq3A_171, %lt3A_173 : vector<16xi1>
          %jit3A_175 = arith.constant 1 : i32
          %jit3A_176 = arith.constant 0 : i32
          %broadcast_in_dim3A_177 = vector.broadcast %jit3A_175 : i32 to vector<16xi32>
          %broadcast_in_dim3A_178 = vector.broadcast %jit3A_176 : i32 to vector<16xi32>
          %select_n3A_179 = arith.select %and3A_174, %broadcast_in_dim3A_177, %broadcast_in_dim3A_178 : vector<16xi1>, vector<16xi32>
          %add3A_180 = arith.addi %add3A_160, %select_n3A_179 : vector<16xi32>
          %add3A_181 = arith.constant 48 : i32
          %add3A_182 = vector.broadcast %add3A_181 : i32 to vector<16xi32>
          %add3A_183 = arith.addi %iota3A, %add3A_182 : vector<16xi32>
          %eq3A_184 = vector.broadcast %sub3A_109 : i32 to vector<16xi32>
          %eq3A_185 = arith.cmpi eq, %add3A_183, %eq3A_184 : vector<16xi32>
          %broadcast_in_dim3A_186 = vector.broadcast %cond3A_3 : f32 to vector<16xf32>
          %select_n3A_187 = arith.select %eq3A_185, %broadcast_in_dim3A_186, %get3A_26 : vector<16xi1>, vector<16xf32>
          %swap3A_188 = arith.constant 48 : index
          %swap3A_189 = tpu.vector_load %arg13[%swap3A_188] {strides = array<i32>} : memref<1024xf32, #tpu.memory_space<vmem>>, vector<16xf32>,
          tpu.vector_store %arg13[%swap3A_188], %select_n3A_187 {strides = array<i32>} : memref<1024xf32, #tpu.memory_space<vmem>>, vector<16xf32>,
          %eq3A_190 = vector.broadcast %select_n3A_106 : i32 to vector<16xi32>
          %eq3A_191 = arith.cmpi eq, %get3A_34, %eq3A_190 : vector<16xi32>
          %lt3A_192 = vector.broadcast %cond3A_3 : f32 to vector<16xf32>
          %lt3A_193 = arith.cmpf olt, %select_n3A_187, %lt3A_192 : vector<16xf32>
          %and3A_194 = arith.andi %eq3A_191, %lt3A_193 : vector<16xi1>
          %jit3A_195 = arith.constant 1 : i32
          %jit3A_196 = arith.constant 0 : i32
          %broadcast_in_dim3A_197 = vector.broadcast %jit3A_195 : i32 to vector<16xi32>
          %broadcast_in_dim3A_198 = vector.broadcast %jit3A_196 : i32 to vector<16xi32>
          %select_n3A_199 = arith.select %and3A_194, %broadcast_in_dim3A_197, %broadcast_in_dim3A_198 : vector<16xi1>, vector<16xi32>
          %add3A_200 = arith.addi %add3A_180, %select_n3A_199 : vector<16xi32>
          %reduce_max3A = arith.constant true
          %reduce_max3A_201 = vector.broadcast %reduce_max3A : i1 to vector<16xi1>
          %reduce_max3A_202 = arith.constant -2147483648 : i32
          %reduce_max3A_203 = vector.broadcast %reduce_max3A_202 : i32 to vector<16xi32>
          %reduce_max3A_204 = arith.xori %add3A_200, %reduce_max3A_203 : vector<16xi32>
          %reduce_max3A_205 = tpu.scan <max>, %reduce_max3A_204 masked %reduce_max3A_201 : vector<16xi32>, vector<16xi1> -> vector<16xi32>
          %reduce_max3A_206 = arith.xori %reduce_max3A_205, %reduce_max3A_203 : vector<16xi32>
          %reduce_max3A_207 = vector.extract %reduce_max3A_206[15] : i32 from vector<16xi32>
          %gt3A = arith.constant 0 : i32
          %gt3A_208 = arith.cmpi sgt, %reduce_max3A_207, %gt3A : i32
          %convert_element_type3A_209 = arith.extui %gt3A_208 : i1 to i32
          %cond3A_210 = arith.constant 0 : i32
          %cond3A_211 = arith.cmpi ne, %convert_element_type3A_209, %cond3A_210 : i32
          scf.if %cond3A_211 {
            %while3A_212 = arith.constant 0 : i32
            %while3A_213 = arith.constant 0 : i32
            %while3A_214 = arith.constant 64 : i32
            %while3A_215 = arith.subi %while3A_214, %while3A_213 : i32
            %while3A_216 = arith.addi %while3A_213, %while3A_215 : i32
            %while3A_217 = arith.constant 1 : i32
            %while3A_218 = arith.divsi %while3A_215, %while3A_217 : i32
            %while3A_219 = arith.muli %while3A_218, %while3A_217 : i32
            %while3A_220 = arith.addi %while3A_213, %while3A_219 : i32
            %while3A_221 = arith.constant 1 : i32
            scf.for %while3A_223 = %while3A_213 to %while3A_220 step %while3A_221  : i32 {
              %broadcast_in_dim3A_224 = vector.broadcast %while3A_223 : i32 to vector<16xi32>
              %gather3A_225 = tpu.vector_load_idx %arg13[%broadcast_in_dim3A_224] : memref<1024xf32, #tpu.memory_space<vmem>>[vector<16xi32>], vector<16xf32>,
              %reduce_min3A_226 = arith.constant true
              %reduce_min3A_227 = vector.broadcast %reduce_min3A_226 : i1 to vector<16xi1>
              %reduce_min3A_228 = tpu.scan <min>, %gather3A_225 masked %reduce_min3A_227 : vector<16xf32>, vector<16xi1> -> vector<16xf32>
              %reduce_min3A_229 = vector.extract %reduce_min3A_228[15] : f32 from vector<16xf32>
              %gather3A_230 = tpu.vector_load_idx %arg14[%broadcast_in_dim3A_224] : memref<1024xi32, #tpu.memory_space<vmem>>[vector<16xi32>], vector<16xi32>,
              %reduce_min3A_231 = arith.constant true
              %reduce_min3A_232 = vector.broadcast %reduce_min3A_231 : i1 to vector<16xi1>
              %reduce_min3A_233 = arith.constant -2147483648 : i32
              %reduce_min3A_234 = vector.broadcast %reduce_min3A_233 : i32 to vector<16xi32>
              %reduce_min3A_235 = arith.xori %gather3A_230, %reduce_min3A_234 : vector<16xi32>
              %reduce_min3A_236 = tpu.scan <min>, %reduce_min3A_235 masked %reduce_min3A_232 : vector<16xi32>, vector<16xi1> -> vector<16xi32>
              %reduce_min3A_237 = arith.xori %reduce_min3A_236, %reduce_min3A_234 : vector<16xi32>
              %reduce_min3A_238 = vector.extract %reduce_min3A_237[15] : i32 from vector<16xi32>
              %eq3A_239 = arith.cmpi eq, %reduce_min3A_238, %select_n3A_106 : i32
              %lt3A_240 = arith.cmpf olt, %reduce_min3A_229, %cond3A_3 : f32
              %and3A_241 = arith.andi %eq3A_239, %lt3A_240 : i1
              %convert_element_type3A_242 = arith.extui %and3A_241 : i1 to i32
              %cond3A_243 = arith.constant 0 : i32
              %cond3A_244 = arith.cmpi ne, %convert_element_type3A_242, %cond3A_243 : i32
              scf.if %cond3A_244 {
                %mul3A_245 = arith.constant 5120 : i32
                %mul3A_246 = arith.muli %while3A_223, %mul3A_245 : i32
                %multiple_of3A = tpu.assume_multiple %mul3A_246, 1024 : i32
                "tpu.region"() ({
                  %run_scoped3A = tpu.sem_alloc : memref<!tpu.dma_semaphore, #tpu.memory_space<semaphore_mem>>
                  %dma_start3A = tpu.memref_slice %arg5[%multiple_of3A] : memref<327680xf32, #tpu.memory_space<hbm>> -> memref<5120xf32, #tpu.memory_space<hbm>>
                  %dma_start3A_279 = tpu.memref_slice %arg5[%multiple_of3A] : memref<327680xf32, #tpu.memory_space<hbm>> -> memref<5120xf32, #tpu.memory_space<hbm>>
                  tpu.enqueue_dma source(%dma_start3A_279 : memref<5120xf32, #tpu.memory_space<hbm>>) target(%arg20 : memref<5120xf32, #tpu.memory_space<vmem>>) target_semaphore(%run_scoped3A : memref<!tpu.dma_semaphore, #tpu.memory_space<semaphore_mem>>)
                  %dma_wait3A = tpu.memref_slice %arg5[%multiple_of3A] : memref<327680xf32, #tpu.memory_space<hbm>> -> memref<5120xf32, #tpu.memory_space<hbm>>
                  %dma_wait3A_280 = tpu.memref_slice %arg5[%multiple_of3A] : memref<327680xf32, #tpu.memory_space<hbm>> -> memref<5120xf32, #tpu.memory_space<hbm>>
                  tpu.wait_dma2 semaphore(%run_scoped3A : memref<!tpu.dma_semaphore, #tpu.memory_space<semaphore_mem>>) src(%dma_wait3A_280 : memref<5120xf32, #tpu.memory_space<hbm>>) dst(%arg20 : memref<5120xf32, #tpu.memory_space<vmem>>)
                  tpu.yield
                }) : () -> ()
                %broadcast_in_dim3A_247 = vector.broadcast %cond3A_3 : f32 to vector<16xf32>
                %broadcast_in_dim3A_248 = vector.broadcast %cond3A : i32 to vector<16xi32>
                %while3A_249 = arith.constant 0 : i32
                %while3A_250 = arith.constant 320 : i32
                %while3A_251 = arith.subi %while3A_250, %while3A_249 : i32
                %while3A_252 = arith.addi %while3A_249, %while3A_251 : i32
                %while3A_253 = arith.constant 1 : i32
                %while3A_254 = arith.divsi %while3A_251, %while3A_253 : i32
                %while3A_255 = arith.muli %while3A_254, %while3A_253 : i32
                %while3A_256 = arith.addi %while3A_249, %while3A_255 : i32
                %while3A_257 = arith.constant 1 : i32
                %while3A_258:2 = scf.for %while3A_279 = %while3A_249 to %while3A_256 step %while3A_257 iter_args(%while3A_280 = %broadcast_in_dim3A_247, %while3A_281 = %broadcast_in_dim3A_248) -> (vector<16xf32>, vector<16xi32>)  : i32 {
                  %mul3A_282 = arith.constant 16 : i32
                  %mul3A_283 = arith.muli %while3A_279, %mul3A_282 : i32
                  %add3A_284 = vector.broadcast %mul3A_283 : i32 to vector<16xi32>
                  %add3A_285 = arith.addi %iota3A, %add3A_284 : vector<16xi32>
                  %gather3A_286 = tpu.vector_load_idx %arg20[%add3A_285] : memref<5120xf32, #tpu.memory_space<vmem>>[vector<16xi32>], vector<16xf32>,
                  %gather3A_287 = tpu.vector_load_idx %arg15[%add3A_285] : memref<5120xf32, #tpu.memory_space<vmem>>[vector<16xi32>], vector<16xf32>,
                  %add3A_288 = arith.addf %gather3A_286, %gather3A_287 : vector<16xf32>
                  %lt3A_289 = arith.cmpf olt, %add3A_288, %while3A_280 : vector<16xf32>
                  %select_n3A_290 = arith.select %lt3A_289, %add3A_285, %while3A_281 : vector<16xi1>, vector<16xi32>
                  %select_n3A_291 = arith.select %lt3A_289, %add3A_288, %while3A_280 : vector<16xi1>, vector<16xf32>
                  scf.yield %select_n3A_291, %select_n3A_290 : vector<16xf32>, vector<16xi32>
                }
                %while3A_259 = arith.constant 1 : i32
                %while3A_260:2 = scf.for %while3A_279 = %while3A_256 to %while3A_252 step %while3A_259 iter_args(%while3A_280 = %while3A_258#0, %while3A_281 = %while3A_258#1) -> (vector<16xf32>, vector<16xi32>)  : i32 {
                  %mul3A_282 = arith.constant 16 : i32
                  %mul3A_283 = arith.muli %while3A_279, %mul3A_282 : i32
                  %add3A_284 = vector.broadcast %mul3A_283 : i32 to vector<16xi32>
                  %add3A_285 = arith.addi %iota3A, %add3A_284 : vector<16xi32>
                  %gather3A_286 = tpu.vector_load_idx %arg20[%add3A_285] : memref<5120xf32, #tpu.memory_space<vmem>>[vector<16xi32>], vector<16xf32>,
                  %gather3A_287 = tpu.vector_load_idx %arg15[%add3A_285] : memref<5120xf32, #tpu.memory_space<vmem>>[vector<16xi32>], vector<16xf32>,
                  %add3A_288 = arith.addf %gather3A_286, %gather3A_287 : vector<16xf32>
                  %lt3A_289 = arith.cmpf olt, %add3A_288, %while3A_280 : vector<16xf32>
                  %select_n3A_290 = arith.select %lt3A_289, %add3A_285, %while3A_281 : vector<16xi1>, vector<16xi32>
                  %select_n3A_291 = arith.select %lt3A_289, %add3A_288, %while3A_280 : vector<16xi1>, vector<16xf32>
                  scf.yield %select_n3A_291, %select_n3A_290 : vector<16xf32>, vector<16xi32>
                }
                %reduce_min3A_261 = arith.constant true
                %reduce_min3A_262 = vector.broadcast %reduce_min3A_261 : i1 to vector<16xi1>
                %reduce_min3A_263 = tpu.scan <min>, %while3A_260#0 masked %reduce_min3A_262 : vector<16xf32>, vector<16xi1> -> vector<16xf32>
                %reduce_min3A_264 = vector.extract %reduce_min3A_263[15] : f32 from vector<16xf32>
                %eq3A_265 = vector.broadcast %reduce_min3A_264 : f32 to vector<16xf32>
                %eq3A_266 = arith.cmpf oeq, %while3A_260#0, %eq3A_265 : vector<16xf32>
                %broadcast_in_dim3A_267 = vector.broadcast %cond3A : i32 to vector<16xi32>
                %select_n3A_268 = arith.select %eq3A_266, %while3A_260#1, %broadcast_in_dim3A_267 : vector<16xi1>, vector<16xi32>
                %reduce_min3A_269 = arith.constant true
                %reduce_min3A_270 = vector.broadcast %reduce_min3A_269 : i1 to vector<16xi1>
                %reduce_min3A_271 = arith.constant -2147483648 : i32
                %reduce_min3A_272 = vector.broadcast %reduce_min3A_271 : i32 to vector<16xi32>
                %reduce_min3A_273 = arith.xori %select_n3A_268, %reduce_min3A_272 : vector<16xi32>
                %reduce_min3A_274 = tpu.scan <min>, %reduce_min3A_273 masked %reduce_min3A_270 : vector<16xi32>, vector<16xi1> -> vector<16xi32>
                %reduce_min3A_275 = arith.xori %reduce_min3A_274, %reduce_min3A_272 : vector<16xi32>
                %reduce_min3A_276 = vector.extract %reduce_min3A_275[15] : i32 from vector<16xi32>
                %broadcast_in_dim3A_277 = vector.broadcast %reduce_min3A_264 : f32 to vector<16xf32>
                tpu.vector_store_idx %arg13[%broadcast_in_dim3A_224], %broadcast_in_dim3A_277 masked %eq3A_8 : memref<1024xf32, #tpu.memory_space<vmem>>[vector<16xi32>], vector<16xf32>, vector<16xi1>
                %broadcast_in_dim3A_278 = vector.broadcast %reduce_min3A_276 : i32 to vector<16xi32>
                tpu.vector_store_idx %arg14[%broadcast_in_dim3A_224], %broadcast_in_dim3A_278 masked %eq3A_8 : memref<1024xi32, #tpu.memory_space<vmem>>[vector<16xi32>], vector<16xi32>, vector<16xi1>
              } else {
              }
            }
            %while3A_222 = arith.constant 1 : i32
            scf.for %while3A_223 = %while3A_220 to %while3A_216 step %while3A_222  : i32 {
              %broadcast_in_dim3A_224 = vector.broadcast %while3A_223 : i32 to vector<16xi32>
              %gather3A_225 = tpu.vector_load_idx %arg13[%broadcast_in_dim3A_224] : memref<1024xf32, #tpu.memory_space<vmem>>[vector<16xi32>], vector<16xf32>,
              %reduce_min3A_226 = arith.constant true
              %reduce_min3A_227 = vector.broadcast %reduce_min3A_226 : i1 to vector<16xi1>
              %reduce_min3A_228 = tpu.scan <min>, %gather3A_225 masked %reduce_min3A_227 : vector<16xf32>, vector<16xi1> -> vector<16xf32>
              %reduce_min3A_229 = vector.extract %reduce_min3A_228[15] : f32 from vector<16xf32>
              %gather3A_230 = tpu.vector_load_idx %arg14[%broadcast_in_dim3A_224] : memref<1024xi32, #tpu.memory_space<vmem>>[vector<16xi32>], vector<16xi32>,
              %reduce_min3A_231 = arith.constant true
              %reduce_min3A_232 = vector.broadcast %reduce_min3A_231 : i1 to vector<16xi1>
              %reduce_min3A_233 = arith.constant -2147483648 : i32
              %reduce_min3A_234 = vector.broadcast %reduce_min3A_233 : i32 to vector<16xi32>
              %reduce_min3A_235 = arith.xori %gather3A_230, %reduce_min3A_234 : vector<16xi32>
              %reduce_min3A_236 = tpu.scan <min>, %reduce_min3A_235 masked %reduce_min3A_232 : vector<16xi32>, vector<16xi1> -> vector<16xi32>
              %reduce_min3A_237 = arith.xori %reduce_min3A_236, %reduce_min3A_234 : vector<16xi32>
              %reduce_min3A_238 = vector.extract %reduce_min3A_237[15] : i32 from vector<16xi32>
              %eq3A_239 = arith.cmpi eq, %reduce_min3A_238, %select_n3A_106 : i32
              %lt3A_240 = arith.cmpf olt, %reduce_min3A_229, %cond3A_3 : f32
              %and3A_241 = arith.andi %eq3A_239, %lt3A_240 : i1
              %convert_element_type3A_242 = arith.extui %and3A_241 : i1 to i32
              %cond3A_243 = arith.constant 0 : i32
              %cond3A_244 = arith.cmpi ne, %convert_element_type3A_242, %cond3A_243 : i32
              scf.if %cond3A_244 {
                %mul3A_245 = arith.constant 5120 : i32
                %mul3A_246 = arith.muli %while3A_223, %mul3A_245 : i32
                %multiple_of3A = tpu.assume_multiple %mul3A_246, 1024 : i32
                "tpu.region"() ({
                  %run_scoped3A = tpu.sem_alloc : memref<!tpu.dma_semaphore, #tpu.memory_space<semaphore_mem>>
                  %dma_start3A = tpu.memref_slice %arg5[%multiple_of3A] : memref<327680xf32, #tpu.memory_space<hbm>> -> memref<5120xf32, #tpu.memory_space<hbm>>
                  %dma_start3A_279 = tpu.memref_slice %arg5[%multiple_of3A] : memref<327680xf32, #tpu.memory_space<hbm>> -> memref<5120xf32, #tpu.memory_space<hbm>>
                  tpu.enqueue_dma source(%dma_start3A_279 : memref<5120xf32, #tpu.memory_space<hbm>>) target(%arg20 : memref<5120xf32, #tpu.memory_space<vmem>>) target_semaphore(%run_scoped3A : memref<!tpu.dma_semaphore, #tpu.memory_space<semaphore_mem>>)
                  %dma_wait3A = tpu.memref_slice %arg5[%multiple_of3A] : memref<327680xf32, #tpu.memory_space<hbm>> -> memref<5120xf32, #tpu.memory_space<hbm>>
                  %dma_wait3A_280 = tpu.memref_slice %arg5[%multiple_of3A] : memref<327680xf32, #tpu.memory_space<hbm>> -> memref<5120xf32, #tpu.memory_space<hbm>>
                  tpu.wait_dma2 semaphore(%run_scoped3A : memref<!tpu.dma_semaphore, #tpu.memory_space<semaphore_mem>>) src(%dma_wait3A_280 : memref<5120xf32, #tpu.memory_space<hbm>>) dst(%arg20 : memref<5120xf32, #tpu.memory_space<vmem>>)
                  tpu.yield
                }) : () -> ()
                %broadcast_in_dim3A_247 = vector.broadcast %cond3A_3 : f32 to vector<16xf32>
                %broadcast_in_dim3A_248 = vector.broadcast %cond3A : i32 to vector<16xi32>
                %while3A_249 = arith.constant 0 : i32
                %while3A_250 = arith.constant 320 : i32
                %while3A_251 = arith.subi %while3A_250, %while3A_249 : i32
                %while3A_252 = arith.addi %while3A_249, %while3A_251 : i32
                %while3A_253 = arith.constant 1 : i32
                %while3A_254 = arith.divsi %while3A_251, %while3A_253 : i32
                %while3A_255 = arith.muli %while3A_254, %while3A_253 : i32
                %while3A_256 = arith.addi %while3A_249, %while3A_255 : i32
                %while3A_257 = arith.constant 1 : i32
                %while3A_258:2 = scf.for %while3A_279 = %while3A_249 to %while3A_256 step %while3A_257 iter_args(%while3A_280 = %broadcast_in_dim3A_247, %while3A_281 = %broadcast_in_dim3A_248) -> (vector<16xf32>, vector<16xi32>)  : i32 {
                  %mul3A_282 = arith.constant 16 : i32
                  %mul3A_283 = arith.muli %while3A_279, %mul3A_282 : i32
                  %add3A_284 = vector.broadcast %mul3A_283 : i32 to vector<16xi32>
                  %add3A_285 = arith.addi %iota3A, %add3A_284 : vector<16xi32>
                  %gather3A_286 = tpu.vector_load_idx %arg20[%add3A_285] : memref<5120xf32, #tpu.memory_space<vmem>>[vector<16xi32>], vector<16xf32>,
                  %gather3A_287 = tpu.vector_load_idx %arg15[%add3A_285] : memref<5120xf32, #tpu.memory_space<vmem>>[vector<16xi32>], vector<16xf32>,
                  %add3A_288 = arith.addf %gather3A_286, %gather3A_287 : vector<16xf32>
                  %lt3A_289 = arith.cmpf olt, %add3A_288, %while3A_280 : vector<16xf32>
                  %select_n3A_290 = arith.select %lt3A_289, %add3A_285, %while3A_281 : vector<16xi1>, vector<16xi32>
                  %select_n3A_291 = arith.select %lt3A_289, %add3A_288, %while3A_280 : vector<16xi1>, vector<16xf32>
                  scf.yield %select_n3A_291, %select_n3A_290 : vector<16xf32>, vector<16xi32>
                }
                %while3A_259 = arith.constant 1 : i32
                %while3A_260:2 = scf.for %while3A_279 = %while3A_256 to %while3A_252 step %while3A_259 iter_args(%while3A_280 = %while3A_258#0, %while3A_281 = %while3A_258#1) -> (vector<16xf32>, vector<16xi32>)  : i32 {
                  %mul3A_282 = arith.constant 16 : i32
                  %mul3A_283 = arith.muli %while3A_279, %mul3A_282 : i32
                  %add3A_284 = vector.broadcast %mul3A_283 : i32 to vector<16xi32>
                  %add3A_285 = arith.addi %iota3A, %add3A_284 : vector<16xi32>
                  %gather3A_286 = tpu.vector_load_idx %arg20[%add3A_285] : memref<5120xf32, #tpu.memory_space<vmem>>[vector<16xi32>], vector<16xf32>,
                  %gather3A_287 = tpu.vector_load_idx %arg15[%add3A_285] : memref<5120xf32, #tpu.memory_space<vmem>>[vector<16xi32>], vector<16xf32>,
                  %add3A_288 = arith.addf %gather3A_286, %gather3A_287 : vector<16xf32>
                  %lt3A_289 = arith.cmpf olt, %add3A_288, %while3A_280 : vector<16xf32>
                  %select_n3A_290 = arith.select %lt3A_289, %add3A_285, %while3A_281 : vector<16xi1>, vector<16xi32>
                  %select_n3A_291 = arith.select %lt3A_289, %add3A_288, %while3A_280 : vector<16xi1>, vector<16xf32>
                  scf.yield %select_n3A_291, %select_n3A_290 : vector<16xf32>, vector<16xi32>
                }
                %reduce_min3A_261 = arith.constant true
                %reduce_min3A_262 = vector.broadcast %reduce_min3A_261 : i1 to vector<16xi1>
                %reduce_min3A_263 = tpu.scan <min>, %while3A_260#0 masked %reduce_min3A_262 : vector<16xf32>, vector<16xi1> -> vector<16xf32>
                %reduce_min3A_264 = vector.extract %reduce_min3A_263[15] : f32 from vector<16xf32>
                %eq3A_265 = vector.broadcast %reduce_min3A_264 : f32 to vector<16xf32>
                %eq3A_266 = arith.cmpf oeq, %while3A_260#0, %eq3A_265 : vector<16xf32>
                %broadcast_in_dim3A_267 = vector.broadcast %cond3A : i32 to vector<16xi32>
                %select_n3A_268 = arith.select %eq3A_266, %while3A_260#1, %broadcast_in_dim3A_267 : vector<16xi1>, vector<16xi32>
                %reduce_min3A_269 = arith.constant true
                %reduce_min3A_270 = vector.broadcast %reduce_min3A_269 : i1 to vector<16xi1>
                %reduce_min3A_271 = arith.constant -2147483648 : i32
                %reduce_min3A_272 = vector.broadcast %reduce_min3A_271 : i32 to vector<16xi32>
                %reduce_min3A_273 = arith.xori %select_n3A_268, %reduce_min3A_272 : vector<16xi32>
                %reduce_min3A_274 = tpu.scan <min>, %reduce_min3A_273 masked %reduce_min3A_270 : vector<16xi32>, vector<16xi1> -> vector<16xi32>
                %reduce_min3A_275 = arith.xori %reduce_min3A_274, %reduce_min3A_272 : vector<16xi32>
                %reduce_min3A_276 = vector.extract %reduce_min3A_275[15] : i32 from vector<16xi32>
                %broadcast_in_dim3A_277 = vector.broadcast %reduce_min3A_264 : f32 to vector<16xf32>
                tpu.vector_store_idx %arg13[%broadcast_in_dim3A_224], %broadcast_in_dim3A_277 masked %eq3A_8 : memref<1024xf32, #tpu.memory_space<vmem>>[vector<16xi32>], vector<16xf32>, vector<16xi1>
                %broadcast_in_dim3A_278 = vector.broadcast %reduce_min3A_276 : i32 to vector<16xi32>
                tpu.vector_store_idx %arg14[%broadcast_in_dim3A_224], %broadcast_in_dim3A_278 masked %eq3A_8 : memref<1024xi32, #tpu.memory_space<vmem>>[vector<16xi32>], vector<16xi32>, vector<16xi1>
              } else {
              }
            }
          } else {
          }
        } else {
        }
      }
      %while3A_18 = arith.constant 1 : i32
      scf.for %while3A_19 = %while3A_16 to %while3A_12 step %while3A_18  : i32 {
        %get3A = arith.constant 0 : index
        %get3A_20 = tpu.vector_load %arg13[%get3A] {strides = array<i32>} : memref<1024xf32, #tpu.memory_space<vmem>>, vector<16xf32>,
        %get3A_21 = arith.constant 16 : index
        %get3A_22 = tpu.vector_load %arg13[%get3A_21] {strides = array<i32>} : memref<1024xf32, #tpu.memory_space<vmem>>, vector<16xf32>,
        %get3A_23 = arith.constant 32 : index
        %get3A_24 = tpu.vector_load %arg13[%get3A_23] {strides = array<i32>} : memref<1024xf32, #tpu.memory_space<vmem>>, vector<16xf32>,
        %get3A_25 = arith.constant 48 : index
        %get3A_26 = tpu.vector_load %arg13[%get3A_25] {strides = array<i32>} : memref<1024xf32, #tpu.memory_space<vmem>>, vector<16xf32>,
        %get3A_27 = arith.constant 0 : index
        %get3A_28 = tpu.vector_load %arg14[%get3A_27] {strides = array<i32>} : memref<1024xi32, #tpu.memory_space<vmem>>, vector<16xi32>,
        %get3A_29 = arith.constant 16 : index
        %get3A_30 = tpu.vector_load %arg14[%get3A_29] {strides = array<i32>} : memref<1024xi32, #tpu.memory_space<vmem>>, vector<16xi32>,
        %get3A_31 = arith.constant 32 : index
        %get3A_32 = tpu.vector_load %arg14[%get3A_31] {strides = array<i32>} : memref<1024xi32, #tpu.memory_space<vmem>>, vector<16xi32>,
        %get3A_33 = arith.constant 48 : index
        %get3A_34 = tpu.vector_load %arg14[%get3A_33] {strides = array<i32>} : memref<1024xi32, #tpu.memory_space<vmem>>, vector<16xi32>,
        %min3A = arith.minimumf %get3A_20, %get3A_22 : vector<16xf32>
        %min3A_35 = arith.minimumf %min3A, %get3A_24 : vector<16xf32>
        %min3A_36 = arith.minimumf %min3A_35, %get3A_26 : vector<16xf32>
        %reduce_min3A = arith.constant true
        %reduce_min3A_37 = vector.broadcast %reduce_min3A : i1 to vector<16xi1>
        %reduce_min3A_38 = tpu.scan <min>, %min3A_36 masked %reduce_min3A_37 : vector<16xf32>, vector<16xi1> -> vector<16xf32>
        %reduce_min3A_39 = vector.extract %reduce_min3A_38[15] : f32 from vector<16xf32>
        %eq3A_40 = vector.broadcast %reduce_min3A_39 : f32 to vector<16xf32>
        %eq3A_41 = arith.cmpf oeq, %get3A_20, %eq3A_40 : vector<16xf32>
        %mul3A = arith.constant 64 : i32
        %mul3A_42 = vector.broadcast %mul3A : i32 to vector<16xi32>
        %mul3A_43 = arith.muli %get3A_28, %mul3A_42 : vector<16xi32>
        %add3A = arith.addi %mul3A_43, %iota3A : vector<16xi32>
        %broadcast_in_dim3A = vector.broadcast %cond3A : i32 to vector<16xi32>
        %select_n3A = arith.select %eq3A_41, %add3A, %broadcast_in_dim3A : vector<16xi1>, vector<16xi32>
        %eq3A_44 = vector.broadcast %reduce_min3A_39 : f32 to vector<16xf32>
        %eq3A_45 = arith.cmpf oeq, %get3A_22, %eq3A_44 : vector<16xf32>
        %mul3A_46 = arith.constant 64 : i32
        %mul3A_47 = vector.broadcast %mul3A_46 : i32 to vector<16xi32>
        %mul3A_48 = arith.muli %get3A_30, %mul3A_47 : vector<16xi32>
        %add3A_49 = arith.constant 16 : i32
        %add3A_50 = vector.broadcast %add3A_49 : i32 to vector<16xi32>
        %add3A_51 = arith.addi %iota3A, %add3A_50 : vector<16xi32>
        %add3A_52 = arith.addi %mul3A_48, %add3A_51 : vector<16xi32>
        %broadcast_in_dim3A_53 = vector.broadcast %cond3A : i32 to vector<16xi32>
        %select_n3A_54 = arith.select %eq3A_45, %add3A_52, %broadcast_in_dim3A_53 : vector<16xi1>, vector<16xi32>
        %min3A_55 = arith.minsi %select_n3A, %select_n3A_54 : vector<16xi32>
        %eq3A_56 = vector.broadcast %reduce_min3A_39 : f32 to vector<16xf32>
        %eq3A_57 = arith.cmpf oeq, %get3A_24, %eq3A_56 : vector<16xf32>
        %mul3A_58 = arith.constant 64 : i32
        %mul3A_59 = vector.broadcast %mul3A_58 : i32 to vector<16xi32>
        %mul3A_60 = arith.muli %get3A_32, %mul3A_59 : vector<16xi32>
        %add3A_61 = arith.constant 32 : i32
        %add3A_62 = vector.broadcast %add3A_61 : i32 to vector<16xi32>
        %add3A_63 = arith.addi %iota3A, %add3A_62 : vector<16xi32>
        %add3A_64 = arith.addi %mul3A_60, %add3A_63 : vector<16xi32>
        %broadcast_in_dim3A_65 = vector.broadcast %cond3A : i32 to vector<16xi32>
        %select_n3A_66 = arith.select %eq3A_57, %add3A_64, %broadcast_in_dim3A_65 : vector<16xi1>, vector<16xi32>
        %min3A_67 = arith.minsi %min3A_55, %select_n3A_66 : vector<16xi32>
        %eq3A_68 = vector.broadcast %reduce_min3A_39 : f32 to vector<16xf32>
        %eq3A_69 = arith.cmpf oeq, %get3A_26, %eq3A_68 : vector<16xf32>
        %mul3A_70 = arith.constant 64 : i32
        %mul3A_71 = vector.broadcast %mul3A_70 : i32 to vector<16xi32>
        %mul3A_72 = arith.muli %get3A_34, %mul3A_71 : vector<16xi32>
        %add3A_73 = arith.constant 48 : i32
        %add3A_74 = vector.broadcast %add3A_73 : i32 to vector<16xi32>
        %add3A_75 = arith.addi %iota3A, %add3A_74 : vector<16xi32>
        %add3A_76 = arith.addi %mul3A_72, %add3A_75 : vector<16xi32>
        %broadcast_in_dim3A_77 = vector.broadcast %cond3A : i32 to vector<16xi32>
        %select_n3A_78 = arith.select %eq3A_69, %add3A_76, %broadcast_in_dim3A_77 : vector<16xi1>, vector<16xi32>
        %min3A_79 = arith.minsi %min3A_67, %select_n3A_78 : vector<16xi32>
        %reduce_min3A_80 = arith.constant true
        %reduce_min3A_81 = vector.broadcast %reduce_min3A_80 : i1 to vector<16xi1>
        %reduce_min3A_82 = arith.constant -2147483648 : i32
        %reduce_min3A_83 = vector.broadcast %reduce_min3A_82 : i32 to vector<16xi32>
        %reduce_min3A_84 = arith.xori %min3A_79, %reduce_min3A_83 : vector<16xi32>
        %reduce_min3A_85 = tpu.scan <min>, %reduce_min3A_84 masked %reduce_min3A_81 : vector<16xi32>, vector<16xi1> -> vector<16xi32>
        %reduce_min3A_86 = arith.xori %reduce_min3A_85, %reduce_min3A_83 : vector<16xi32>
        %reduce_min3A_87 = vector.extract %reduce_min3A_86[15] : i32 from vector<16xi32>
        %jit3A = arith.constant 64 : i64
        %convert_element_type3A_88 = arith.trunci %jit3A : i64 to i32
        %div3A = arith.divsi %reduce_min3A_87, %convert_element_type3A_88 : i32
        %sign3A = arith.constant 0 : i32
        %sign3A_89 = arith.cmpi sgt, %reduce_min3A_87, %sign3A : i32
        %sign3A_90 = arith.extui %sign3A_89 : i1 to i32
        %sign3A_91 = arith.constant 0 : i32
        %sign3A_92 = arith.cmpi slt, %reduce_min3A_87, %sign3A_91 : i32
        %sign3A_93 = arith.extui %sign3A_92 : i1 to i32
        %sign3A_94 = arith.subi %sign3A_90, %sign3A_93 : i32
        %sign3A_95 = arith.constant 0 : i32
        %sign3A_96 = arith.cmpi sgt, %convert_element_type3A_88, %sign3A_95 : i32
        %sign3A_97 = arith.extui %sign3A_96 : i1 to i32
        %sign3A_98 = arith.constant 0 : i32
        %sign3A_99 = arith.cmpi slt, %convert_element_type3A_88, %sign3A_98 : i32
        %sign3A_100 = arith.extui %sign3A_99 : i1 to i32
        %sign3A_101 = arith.subi %sign3A_97, %sign3A_100 : i32
        %ne3A = arith.cmpi ne, %sign3A_94, %sign3A_101 : i32
        %rem3A = arith.remsi %reduce_min3A_87, %convert_element_type3A_88 : i32
        %ne3A_102 = arith.constant 0 : i32
        %ne3A_103 = arith.cmpi ne, %rem3A, %ne3A_102 : i32
        %and3A_104 = arith.andi %ne3A, %ne3A_103 : i1
        %sub3A = arith.constant 1 : i32
        %sub3A_105 = arith.subi %div3A, %sub3A : i32
        %select_n3A_106 = arith.select %and3A_104, %sub3A_105, %div3A : i32
        %mul3A_107 = arith.constant 64 : i32
        %mul3A_108 = arith.muli %select_n3A_106, %mul3A_107 : i32
        %sub3A_109 = arith.subi %reduce_min3A_87, %mul3A_108 : i32
        %lt3A = arith.cmpf olt, %reduce_min3A_39, %cond3A_3 : f32
        %convert_element_type3A_110 = arith.extui %lt3A : i1 to i32
        %cond3A_111 = arith.constant 0 : i32
        %cond3A_112 = arith.cmpi ne, %convert_element_type3A_110, %cond3A_111 : i32
        scf.if %cond3A_112 {
          %broadcast_in_dim3A_113 = vector.broadcast %select_n3A_106 : i32 to vector<16xi32>
          %broadcast_in_dim3A_114 = vector.broadcast %sub3A_109 : i32 to vector<16xi32>
          tpu.vector_store_idx %arg17[%broadcast_in_dim3A_113], %broadcast_in_dim3A_114 masked %eq3A_8 : memref<5120xi32, #tpu.memory_space<vmem>>[vector<16xi32>], vector<16xi32>, vector<16xi1>
          %gather3A = tpu.vector_load_idx %arg16[%broadcast_in_dim3A_114] : memref<1024xi32, #tpu.memory_space<vmem>>[vector<16xi32>], vector<16xi32>,
          tpu.vector_store_idx %arg18[%broadcast_in_dim3A_113], %gather3A masked %eq3A_8 : memref<5120xi32, #tpu.memory_space<vmem>>[vector<16xi32>], vector<16xi32>, vector<16xi1>
          %gather3A_115 = tpu.vector_load_idx %arg19[%broadcast_in_dim3A_113] : memref<5120xi32, #tpu.memory_space<vmem>>[vector<16xi32>], vector<16xi32>,
          %add3A_116 = arith.constant 3 : i32
          %add3A_117 = vector.broadcast %add3A_116 : i32 to vector<16xi32>
          %add3A_118 = arith.addi %gather3A_115, %add3A_117 : vector<16xi32>
          tpu.vector_store_idx %arg19[%broadcast_in_dim3A_113], %add3A_118 masked %eq3A_8 : memref<5120xi32, #tpu.memory_space<vmem>>[vector<16xi32>], vector<16xi32>, vector<16xi1>
          %broadcast_in_dim3A_119 = vector.broadcast %cond3A_3 : f32 to vector<16xf32>
          tpu.vector_store_idx %arg15[%broadcast_in_dim3A_113], %broadcast_in_dim3A_119 masked %eq3A_8 : memref<5120xf32, #tpu.memory_space<vmem>>[vector<16xi32>], vector<16xf32>, vector<16xi1>
          %broadcast_in_dim3A_120 = arith.constant 0 : i32
          %broadcast_in_dim3A_121 = vector.broadcast %broadcast_in_dim3A_120 : i32 to vector<16xi32>
          %add3A_122 = arith.constant 0 : i32
          %add3A_123 = vector.broadcast %add3A_122 : i32 to vector<16xi32>
          %add3A_124 = arith.addi %iota3A, %add3A_123 : vector<16xi32>
          %eq3A_125 = vector.broadcast %sub3A_109 : i32 to vector<16xi32>
          %eq3A_126 = arith.cmpi eq, %add3A_124, %eq3A_125 : vector<16xi32>
          %broadcast_in_dim3A_127 = vector.broadcast %cond3A_3 : f32 to vector<16xf32>
          %select_n3A_128 = arith.select %eq3A_126, %broadcast_in_dim3A_127, %get3A_20 : vector<16xi1>, vector<16xf32>
          %swap3A = arith.constant 0 : index
          %swap3A_129 = tpu.vector_load %arg13[%swap3A] {strides = array<i32>} : memref<1024xf32, #tpu.memory_space<vmem>>, vector<16xf32>,
          tpu.vector_store %arg13[%swap3A], %select_n3A_128 {strides = array<i32>} : memref<1024xf32, #tpu.memory_space<vmem>>, vector<16xf32>,
          %eq3A_130 = vector.broadcast %select_n3A_106 : i32 to vector<16xi32>
          %eq3A_131 = arith.cmpi eq, %get3A_28, %eq3A_130 : vector<16xi32>
          %lt3A_132 = vector.broadcast %cond3A_3 : f32 to vector<16xf32>
          %lt3A_133 = arith.cmpf olt, %select_n3A_128, %lt3A_132 : vector<16xf32>
          %and3A_134 = arith.andi %eq3A_131, %lt3A_133 : vector<16xi1>
          %jit3A_135 = arith.constant 1 : i32
          %jit3A_136 = arith.constant 0 : i32
          %broadcast_in_dim3A_137 = vector.broadcast %jit3A_135 : i32 to vector<16xi32>
          %broadcast_in_dim3A_138 = vector.broadcast %jit3A_136 : i32 to vector<16xi32>
          %select_n3A_139 = arith.select %and3A_134, %broadcast_in_dim3A_137, %broadcast_in_dim3A_138 : vector<16xi1>, vector<16xi32>
          %add3A_140 = arith.addi %broadcast_in_dim3A_121, %select_n3A_139 : vector<16xi32>
          %add3A_141 = arith.constant 16 : i32
          %add3A_142 = vector.broadcast %add3A_141 : i32 to vector<16xi32>
          %add3A_143 = arith.addi %iota3A, %add3A_142 : vector<16xi32>
          %eq3A_144 = vector.broadcast %sub3A_109 : i32 to vector<16xi32>
          %eq3A_145 = arith.cmpi eq, %add3A_143, %eq3A_144 : vector<16xi32>
          %broadcast_in_dim3A_146 = vector.broadcast %cond3A_3 : f32 to vector<16xf32>
          %select_n3A_147 = arith.select %eq3A_145, %broadcast_in_dim3A_146, %get3A_22 : vector<16xi1>, vector<16xf32>
          %swap3A_148 = arith.constant 16 : index
          %swap3A_149 = tpu.vector_load %arg13[%swap3A_148] {strides = array<i32>} : memref<1024xf32, #tpu.memory_space<vmem>>, vector<16xf32>,
          tpu.vector_store %arg13[%swap3A_148], %select_n3A_147 {strides = array<i32>} : memref<1024xf32, #tpu.memory_space<vmem>>, vector<16xf32>,
          %eq3A_150 = vector.broadcast %select_n3A_106 : i32 to vector<16xi32>
          %eq3A_151 = arith.cmpi eq, %get3A_30, %eq3A_150 : vector<16xi32>
          %lt3A_152 = vector.broadcast %cond3A_3 : f32 to vector<16xf32>
          %lt3A_153 = arith.cmpf olt, %select_n3A_147, %lt3A_152 : vector<16xf32>
          %and3A_154 = arith.andi %eq3A_151, %lt3A_153 : vector<16xi1>
          %jit3A_155 = arith.constant 1 : i32
          %jit3A_156 = arith.constant 0 : i32
          %broadcast_in_dim3A_157 = vector.broadcast %jit3A_155 : i32 to vector<16xi32>
          %broadcast_in_dim3A_158 = vector.broadcast %jit3A_156 : i32 to vector<16xi32>
          %select_n3A_159 = arith.select %and3A_154, %broadcast_in_dim3A_157, %broadcast_in_dim3A_158 : vector<16xi1>, vector<16xi32>
          %add3A_160 = arith.addi %add3A_140, %select_n3A_159 : vector<16xi32>
          %add3A_161 = arith.constant 32 : i32
          %add3A_162 = vector.broadcast %add3A_161 : i32 to vector<16xi32>
          %add3A_163 = arith.addi %iota3A, %add3A_162 : vector<16xi32>
          %eq3A_164 = vector.broadcast %sub3A_109 : i32 to vector<16xi32>
          %eq3A_165 = arith.cmpi eq, %add3A_163, %eq3A_164 : vector<16xi32>
          %broadcast_in_dim3A_166 = vector.broadcast %cond3A_3 : f32 to vector<16xf32>
          %select_n3A_167 = arith.select %eq3A_165, %broadcast_in_dim3A_166, %get3A_24 : vector<16xi1>, vector<16xf32>
          %swap3A_168 = arith.constant 32 : index
          %swap3A_169 = tpu.vector_load %arg13[%swap3A_168] {strides = array<i32>} : memref<1024xf32, #tpu.memory_space<vmem>>, vector<16xf32>,
          tpu.vector_store %arg13[%swap3A_168], %select_n3A_167 {strides = array<i32>} : memref<1024xf32, #tpu.memory_space<vmem>>, vector<16xf32>,
          %eq3A_170 = vector.broadcast %select_n3A_106 : i32 to vector<16xi32>
          %eq3A_171 = arith.cmpi eq, %get3A_32, %eq3A_170 : vector<16xi32>
          %lt3A_172 = vector.broadcast %cond3A_3 : f32 to vector<16xf32>
          %lt3A_173 = arith.cmpf olt, %select_n3A_167, %lt3A_172 : vector<16xf32>
          %and3A_174 = arith.andi %eq3A_171, %lt3A_173 : vector<16xi1>
          %jit3A_175 = arith.constant 1 : i32
          %jit3A_176 = arith.constant 0 : i32
          %broadcast_in_dim3A_177 = vector.broadcast %jit3A_175 : i32 to vector<16xi32>
          %broadcast_in_dim3A_178 = vector.broadcast %jit3A_176 : i32 to vector<16xi32>
          %select_n3A_179 = arith.select %and3A_174, %broadcast_in_dim3A_177, %broadcast_in_dim3A_178 : vector<16xi1>, vector<16xi32>
          %add3A_180 = arith.addi %add3A_160, %select_n3A_179 : vector<16xi32>
          %add3A_181 = arith.constant 48 : i32
          %add3A_182 = vector.broadcast %add3A_181 : i32 to vector<16xi32>
          %add3A_183 = arith.addi %iota3A, %add3A_182 : vector<16xi32>
          %eq3A_184 = vector.broadcast %sub3A_109 : i32 to vector<16xi32>
          %eq3A_185 = arith.cmpi eq, %add3A_183, %eq3A_184 : vector<16xi32>
          %broadcast_in_dim3A_186 = vector.broadcast %cond3A_3 : f32 to vector<16xf32>
          %select_n3A_187 = arith.select %eq3A_185, %broadcast_in_dim3A_186, %get3A_26 : vector<16xi1>, vector<16xf32>
          %swap3A_188 = arith.constant 48 : index
          %swap3A_189 = tpu.vector_load %arg13[%swap3A_188] {strides = array<i32>} : memref<1024xf32, #tpu.memory_space<vmem>>, vector<16xf32>,
          tpu.vector_store %arg13[%swap3A_188], %select_n3A_187 {strides = array<i32>} : memref<1024xf32, #tpu.memory_space<vmem>>, vector<16xf32>,
          %eq3A_190 = vector.broadcast %select_n3A_106 : i32 to vector<16xi32>
          %eq3A_191 = arith.cmpi eq, %get3A_34, %eq3A_190 : vector<16xi32>
          %lt3A_192 = vector.broadcast %cond3A_3 : f32 to vector<16xf32>
          %lt3A_193 = arith.cmpf olt, %select_n3A_187, %lt3A_192 : vector<16xf32>
          %and3A_194 = arith.andi %eq3A_191, %lt3A_193 : vector<16xi1>
          %jit3A_195 = arith.constant 1 : i32
          %jit3A_196 = arith.constant 0 : i32
          %broadcast_in_dim3A_197 = vector.broadcast %jit3A_195 : i32 to vector<16xi32>
          %broadcast_in_dim3A_198 = vector.broadcast %jit3A_196 : i32 to vector<16xi32>
          %select_n3A_199 = arith.select %and3A_194, %broadcast_in_dim3A_197, %broadcast_in_dim3A_198 : vector<16xi1>, vector<16xi32>
          %add3A_200 = arith.addi %add3A_180, %select_n3A_199 : vector<16xi32>
          %reduce_max3A = arith.constant true
          %reduce_max3A_201 = vector.broadcast %reduce_max3A : i1 to vector<16xi1>
          %reduce_max3A_202 = arith.constant -2147483648 : i32
          %reduce_max3A_203 = vector.broadcast %reduce_max3A_202 : i32 to vector<16xi32>
          %reduce_max3A_204 = arith.xori %add3A_200, %reduce_max3A_203 : vector<16xi32>
          %reduce_max3A_205 = tpu.scan <max>, %reduce_max3A_204 masked %reduce_max3A_201 : vector<16xi32>, vector<16xi1> -> vector<16xi32>
          %reduce_max3A_206 = arith.xori %reduce_max3A_205, %reduce_max3A_203 : vector<16xi32>
          %reduce_max3A_207 = vector.extract %reduce_max3A_206[15] : i32 from vector<16xi32>
          %gt3A = arith.constant 0 : i32
          %gt3A_208 = arith.cmpi sgt, %reduce_max3A_207, %gt3A : i32
          %convert_element_type3A_209 = arith.extui %gt3A_208 : i1 to i32
          %cond3A_210 = arith.constant 0 : i32
          %cond3A_211 = arith.cmpi ne, %convert_element_type3A_209, %cond3A_210 : i32
          scf.if %cond3A_211 {
            %while3A_212 = arith.constant 0 : i32
            %while3A_213 = arith.constant 0 : i32
            %while3A_214 = arith.constant 64 : i32
            %while3A_215 = arith.subi %while3A_214, %while3A_213 : i32
            %while3A_216 = arith.addi %while3A_213, %while3A_215 : i32
            %while3A_217 = arith.constant 1 : i32
            %while3A_218 = arith.divsi %while3A_215, %while3A_217 : i32
            %while3A_219 = arith.muli %while3A_218, %while3A_217 : i32
            %while3A_220 = arith.addi %while3A_213, %while3A_219 : i32
            %while3A_221 = arith.constant 1 : i32
            scf.for %while3A_223 = %while3A_213 to %while3A_220 step %while3A_221  : i32 {
              %broadcast_in_dim3A_224 = vector.broadcast %while3A_223 : i32 to vector<16xi32>
              %gather3A_225 = tpu.vector_load_idx %arg13[%broadcast_in_dim3A_224] : memref<1024xf32, #tpu.memory_space<vmem>>[vector<16xi32>], vector<16xf32>,
              %reduce_min3A_226 = arith.constant true
              %reduce_min3A_227 = vector.broadcast %reduce_min3A_226 : i1 to vector<16xi1>
              %reduce_min3A_228 = tpu.scan <min>, %gather3A_225 masked %reduce_min3A_227 : vector<16xf32>, vector<16xi1> -> vector<16xf32>
              %reduce_min3A_229 = vector.extract %reduce_min3A_228[15] : f32 from vector<16xf32>
              %gather3A_230 = tpu.vector_load_idx %arg14[%broadcast_in_dim3A_224] : memref<1024xi32, #tpu.memory_space<vmem>>[vector<16xi32>], vector<16xi32>,
              %reduce_min3A_231 = arith.constant true
              %reduce_min3A_232 = vector.broadcast %reduce_min3A_231 : i1 to vector<16xi1>
              %reduce_min3A_233 = arith.constant -2147483648 : i32
              %reduce_min3A_234 = vector.broadcast %reduce_min3A_233 : i32 to vector<16xi32>
              %reduce_min3A_235 = arith.xori %gather3A_230, %reduce_min3A_234 : vector<16xi32>
              %reduce_min3A_236 = tpu.scan <min>, %reduce_min3A_235 masked %reduce_min3A_232 : vector<16xi32>, vector<16xi1> -> vector<16xi32>
              %reduce_min3A_237 = arith.xori %reduce_min3A_236, %reduce_min3A_234 : vector<16xi32>
              %reduce_min3A_238 = vector.extract %reduce_min3A_237[15] : i32 from vector<16xi32>
              %eq3A_239 = arith.cmpi eq, %reduce_min3A_238, %select_n3A_106 : i32
              %lt3A_240 = arith.cmpf olt, %reduce_min3A_229, %cond3A_3 : f32
              %and3A_241 = arith.andi %eq3A_239, %lt3A_240 : i1
              %convert_element_type3A_242 = arith.extui %and3A_241 : i1 to i32
              %cond3A_243 = arith.constant 0 : i32
              %cond3A_244 = arith.cmpi ne, %convert_element_type3A_242, %cond3A_243 : i32
              scf.if %cond3A_244 {
                %mul3A_245 = arith.constant 5120 : i32
                %mul3A_246 = arith.muli %while3A_223, %mul3A_245 : i32
                %multiple_of3A = tpu.assume_multiple %mul3A_246, 1024 : i32
                "tpu.region"() ({
                  %run_scoped3A = tpu.sem_alloc : memref<!tpu.dma_semaphore, #tpu.memory_space<semaphore_mem>>
                  %dma_start3A = tpu.memref_slice %arg5[%multiple_of3A] : memref<327680xf32, #tpu.memory_space<hbm>> -> memref<5120xf32, #tpu.memory_space<hbm>>
                  %dma_start3A_279 = tpu.memref_slice %arg5[%multiple_of3A] : memref<327680xf32, #tpu.memory_space<hbm>> -> memref<5120xf32, #tpu.memory_space<hbm>>
                  tpu.enqueue_dma source(%dma_start3A_279 : memref<5120xf32, #tpu.memory_space<hbm>>) target(%arg20 : memref<5120xf32, #tpu.memory_space<vmem>>) target_semaphore(%run_scoped3A : memref<!tpu.dma_semaphore, #tpu.memory_space<semaphore_mem>>)
                  %dma_wait3A = tpu.memref_slice %arg5[%multiple_of3A] : memref<327680xf32, #tpu.memory_space<hbm>> -> memref<5120xf32, #tpu.memory_space<hbm>>
                  %dma_wait3A_280 = tpu.memref_slice %arg5[%multiple_of3A] : memref<327680xf32, #tpu.memory_space<hbm>> -> memref<5120xf32, #tpu.memory_space<hbm>>
                  tpu.wait_dma2 semaphore(%run_scoped3A : memref<!tpu.dma_semaphore, #tpu.memory_space<semaphore_mem>>) src(%dma_wait3A_280 : memref<5120xf32, #tpu.memory_space<hbm>>) dst(%arg20 : memref<5120xf32, #tpu.memory_space<vmem>>)
                  tpu.yield
                }) : () -> ()
                %broadcast_in_dim3A_247 = vector.broadcast %cond3A_3 : f32 to vector<16xf32>
                %broadcast_in_dim3A_248 = vector.broadcast %cond3A : i32 to vector<16xi32>
                %while3A_249 = arith.constant 0 : i32
                %while3A_250 = arith.constant 320 : i32
                %while3A_251 = arith.subi %while3A_250, %while3A_249 : i32
                %while3A_252 = arith.addi %while3A_249, %while3A_251 : i32
                %while3A_253 = arith.constant 1 : i32
                %while3A_254 = arith.divsi %while3A_251, %while3A_253 : i32
                %while3A_255 = arith.muli %while3A_254, %while3A_253 : i32
                %while3A_256 = arith.addi %while3A_249, %while3A_255 : i32
                %while3A_257 = arith.constant 1 : i32
                %while3A_258:2 = scf.for %while3A_279 = %while3A_249 to %while3A_256 step %while3A_257 iter_args(%while3A_280 = %broadcast_in_dim3A_247, %while3A_281 = %broadcast_in_dim3A_248) -> (vector<16xf32>, vector<16xi32>)  : i32 {
                  %mul3A_282 = arith.constant 16 : i32
                  %mul3A_283 = arith.muli %while3A_279, %mul3A_282 : i32
                  %add3A_284 = vector.broadcast %mul3A_283 : i32 to vector<16xi32>
                  %add3A_285 = arith.addi %iota3A, %add3A_284 : vector<16xi32>
                  %gather3A_286 = tpu.vector_load_idx %arg20[%add3A_285] : memref<5120xf32, #tpu.memory_space<vmem>>[vector<16xi32>], vector<16xf32>,
                  %gather3A_287 = tpu.vector_load_idx %arg15[%add3A_285] : memref<5120xf32, #tpu.memory_space<vmem>>[vector<16xi32>], vector<16xf32>,
                  %add3A_288 = arith.addf %gather3A_286, %gather3A_287 : vector<16xf32>
                  %lt3A_289 = arith.cmpf olt, %add3A_288, %while3A_280 : vector<16xf32>
                  %select_n3A_290 = arith.select %lt3A_289, %add3A_285, %while3A_281 : vector<16xi1>, vector<16xi32>
                  %select_n3A_291 = arith.select %lt3A_289, %add3A_288, %while3A_280 : vector<16xi1>, vector<16xf32>
                  scf.yield %select_n3A_291, %select_n3A_290 : vector<16xf32>, vector<16xi32>
                }
                %while3A_259 = arith.constant 1 : i32
                %while3A_260:2 = scf.for %while3A_279 = %while3A_256 to %while3A_252 step %while3A_259 iter_args(%while3A_280 = %while3A_258#0, %while3A_281 = %while3A_258#1) -> (vector<16xf32>, vector<16xi32>)  : i32 {
                  %mul3A_282 = arith.constant 16 : i32
                  %mul3A_283 = arith.muli %while3A_279, %mul3A_282 : i32
                  %add3A_284 = vector.broadcast %mul3A_283 : i32 to vector<16xi32>
                  %add3A_285 = arith.addi %iota3A, %add3A_284 : vector<16xi32>
                  %gather3A_286 = tpu.vector_load_idx %arg20[%add3A_285] : memref<5120xf32, #tpu.memory_space<vmem>>[vector<16xi32>], vector<16xf32>,
                  %gather3A_287 = tpu.vector_load_idx %arg15[%add3A_285] : memref<5120xf32, #tpu.memory_space<vmem>>[vector<16xi32>], vector<16xf32>,
                  %add3A_288 = arith.addf %gather3A_286, %gather3A_287 : vector<16xf32>
                  %lt3A_289 = arith.cmpf olt, %add3A_288, %while3A_280 : vector<16xf32>
                  %select_n3A_290 = arith.select %lt3A_289, %add3A_285, %while3A_281 : vector<16xi1>, vector<16xi32>
                  %select_n3A_291 = arith.select %lt3A_289, %add3A_288, %while3A_280 : vector<16xi1>, vector<16xf32>
                  scf.yield %select_n3A_291, %select_n3A_290 : vector<16xf32>, vector<16xi32>
                }
                %reduce_min3A_261 = arith.constant true
                %reduce_min3A_262 = vector.broadcast %reduce_min3A_261 : i1 to vector<16xi1>
                %reduce_min3A_263 = tpu.scan <min>, %while3A_260#0 masked %reduce_min3A_262 : vector<16xf32>, vector<16xi1> -> vector<16xf32>
                %reduce_min3A_264 = vector.extract %reduce_min3A_263[15] : f32 from vector<16xf32>
                %eq3A_265 = vector.broadcast %reduce_min3A_264 : f32 to vector<16xf32>
                %eq3A_266 = arith.cmpf oeq, %while3A_260#0, %eq3A_265 : vector<16xf32>
                %broadcast_in_dim3A_267 = vector.broadcast %cond3A : i32 to vector<16xi32>
                %select_n3A_268 = arith.select %eq3A_266, %while3A_260#1, %broadcast_in_dim3A_267 : vector<16xi1>, vector<16xi32>
                %reduce_min3A_269 = arith.constant true
                %reduce_min3A_270 = vector.broadcast %reduce_min3A_269 : i1 to vector<16xi1>
                %reduce_min3A_271 = arith.constant -2147483648 : i32
                %reduce_min3A_272 = vector.broadcast %reduce_min3A_271 : i32 to vector<16xi32>
                %reduce_min3A_273 = arith.xori %select_n3A_268, %reduce_min3A_272 : vector<16xi32>
                %reduce_min3A_274 = tpu.scan <min>, %reduce_min3A_273 masked %reduce_min3A_270 : vector<16xi32>, vector<16xi1> -> vector<16xi32>
                %reduce_min3A_275 = arith.xori %reduce_min3A_274, %reduce_min3A_272 : vector<16xi32>
                %reduce_min3A_276 = vector.extract %reduce_min3A_275[15] : i32 from vector<16xi32>
                %broadcast_in_dim3A_277 = vector.broadcast %reduce_min3A_264 : f32 to vector<16xf32>
                tpu.vector_store_idx %arg13[%broadcast_in_dim3A_224], %broadcast_in_dim3A_277 masked %eq3A_8 : memref<1024xf32, #tpu.memory_space<vmem>>[vector<16xi32>], vector<16xf32>, vector<16xi1>
                %broadcast_in_dim3A_278 = vector.broadcast %reduce_min3A_276 : i32 to vector<16xi32>
                tpu.vector_store_idx %arg14[%broadcast_in_dim3A_224], %broadcast_in_dim3A_278 masked %eq3A_8 : memref<1024xi32, #tpu.memory_space<vmem>>[vector<16xi32>], vector<16xi32>, vector<16xi1>
              } else {
              }
            }
            %while3A_222 = arith.constant 1 : i32
            scf.for %while3A_223 = %while3A_220 to %while3A_216 step %while3A_222  : i32 {
              %broadcast_in_dim3A_224 = vector.broadcast %while3A_223 : i32 to vector<16xi32>
              %gather3A_225 = tpu.vector_load_idx %arg13[%broadcast_in_dim3A_224] : memref<1024xf32, #tpu.memory_space<vmem>>[vector<16xi32>], vector<16xf32>,
              %reduce_min3A_226 = arith.constant true
              %reduce_min3A_227 = vector.broadcast %reduce_min3A_226 : i1 to vector<16xi1>
              %reduce_min3A_228 = tpu.scan <min>, %gather3A_225 masked %reduce_min3A_227 : vector<16xf32>, vector<16xi1> -> vector<16xf32>
              %reduce_min3A_229 = vector.extract %reduce_min3A_228[15] : f32 from vector<16xf32>
              %gather3A_230 = tpu.vector_load_idx %arg14[%broadcast_in_dim3A_224] : memref<1024xi32, #tpu.memory_space<vmem>>[vector<16xi32>], vector<16xi32>,
              %reduce_min3A_231 = arith.constant true
              %reduce_min3A_232 = vector.broadcast %reduce_min3A_231 : i1 to vector<16xi1>
              %reduce_min3A_233 = arith.constant -2147483648 : i32
              %reduce_min3A_234 = vector.broadcast %reduce_min3A_233 : i32 to vector<16xi32>
              %reduce_min3A_235 = arith.xori %gather3A_230, %reduce_min3A_234 : vector<16xi32>
              %reduce_min3A_236 = tpu.scan <min>, %reduce_min3A_235 masked %reduce_min3A_232 : vector<16xi32>, vector<16xi1> -> vector<16xi32>
              %reduce_min3A_237 = arith.xori %reduce_min3A_236, %reduce_min3A_234 : vector<16xi32>
              %reduce_min3A_238 = vector.extract %reduce_min3A_237[15] : i32 from vector<16xi32>
              %eq3A_239 = arith.cmpi eq, %reduce_min3A_238, %select_n3A_106 : i32
              %lt3A_240 = arith.cmpf olt, %reduce_min3A_229, %cond3A_3 : f32
              %and3A_241 = arith.andi %eq3A_239, %lt3A_240 : i1
              %convert_element_type3A_242 = arith.extui %and3A_241 : i1 to i32
              %cond3A_243 = arith.constant 0 : i32
              %cond3A_244 = arith.cmpi ne, %convert_element_type3A_242, %cond3A_243 : i32
              scf.if %cond3A_244 {
                %mul3A_245 = arith.constant 5120 : i32
                %mul3A_246 = arith.muli %while3A_223, %mul3A_245 : i32
                %multiple_of3A = tpu.assume_multiple %mul3A_246, 1024 : i32
                "tpu.region"() ({
                  %run_scoped3A = tpu.sem_alloc : memref<!tpu.dma_semaphore, #tpu.memory_space<semaphore_mem>>
                  %dma_start3A = tpu.memref_slice %arg5[%multiple_of3A] : memref<327680xf32, #tpu.memory_space<hbm>> -> memref<5120xf32, #tpu.memory_space<hbm>>
                  %dma_start3A_279 = tpu.memref_slice %arg5[%multiple_of3A] : memref<327680xf32, #tpu.memory_space<hbm>> -> memref<5120xf32, #tpu.memory_space<hbm>>
                  tpu.enqueue_dma source(%dma_start3A_279 : memref<5120xf32, #tpu.memory_space<hbm>>) target(%arg20 : memref<5120xf32, #tpu.memory_space<vmem>>) target_semaphore(%run_scoped3A : memref<!tpu.dma_semaphore, #tpu.memory_space<semaphore_mem>>)
                  %dma_wait3A = tpu.memref_slice %arg5[%multiple_of3A] : memref<327680xf32, #tpu.memory_space<hbm>> -> memref<5120xf32, #tpu.memory_space<hbm>>
                  %dma_wait3A_280 = tpu.memref_slice %arg5[%multiple_of3A] : memref<327680xf32, #tpu.memory_space<hbm>> -> memref<5120xf32, #tpu.memory_space<hbm>>
                  tpu.wait_dma2 semaphore(%run_scoped3A : memref<!tpu.dma_semaphore, #tpu.memory_space<semaphore_mem>>) src(%dma_wait3A_280 : memref<5120xf32, #tpu.memory_space<hbm>>) dst(%arg20 : memref<5120xf32, #tpu.memory_space<vmem>>)
                  tpu.yield
                }) : () -> ()
                %broadcast_in_dim3A_247 = vector.broadcast %cond3A_3 : f32 to vector<16xf32>
                %broadcast_in_dim3A_248 = vector.broadcast %cond3A : i32 to vector<16xi32>
                %while3A_249 = arith.constant 0 : i32
                %while3A_250 = arith.constant 320 : i32
                %while3A_251 = arith.subi %while3A_250, %while3A_249 : i32
                %while3A_252 = arith.addi %while3A_249, %while3A_251 : i32
                %while3A_253 = arith.constant 1 : i32
                %while3A_254 = arith.divsi %while3A_251, %while3A_253 : i32
                %while3A_255 = arith.muli %while3A_254, %while3A_253 : i32
                %while3A_256 = arith.addi %while3A_249, %while3A_255 : i32
                %while3A_257 = arith.constant 1 : i32
                %while3A_258:2 = scf.for %while3A_279 = %while3A_249 to %while3A_256 step %while3A_257 iter_args(%while3A_280 = %broadcast_in_dim3A_247, %while3A_281 = %broadcast_in_dim3A_248) -> (vector<16xf32>, vector<16xi32>)  : i32 {
                  %mul3A_282 = arith.constant 16 : i32
                  %mul3A_283 = arith.muli %while3A_279, %mul3A_282 : i32
                  %add3A_284 = vector.broadcast %mul3A_283 : i32 to vector<16xi32>
                  %add3A_285 = arith.addi %iota3A, %add3A_284 : vector<16xi32>
                  %gather3A_286 = tpu.vector_load_idx %arg20[%add3A_285] : memref<5120xf32, #tpu.memory_space<vmem>>[vector<16xi32>], vector<16xf32>,
                  %gather3A_287 = tpu.vector_load_idx %arg15[%add3A_285] : memref<5120xf32, #tpu.memory_space<vmem>>[vector<16xi32>], vector<16xf32>,
                  %add3A_288 = arith.addf %gather3A_286, %gather3A_287 : vector<16xf32>
                  %lt3A_289 = arith.cmpf olt, %add3A_288, %while3A_280 : vector<16xf32>
                  %select_n3A_290 = arith.select %lt3A_289, %add3A_285, %while3A_281 : vector<16xi1>, vector<16xi32>
                  %select_n3A_291 = arith.select %lt3A_289, %add3A_288, %while3A_280 : vector<16xi1>, vector<16xf32>
                  scf.yield %select_n3A_291, %select_n3A_290 : vector<16xf32>, vector<16xi32>
                }
                %while3A_259 = arith.constant 1 : i32
                %while3A_260:2 = scf.for %while3A_279 = %while3A_256 to %while3A_252 step %while3A_259 iter_args(%while3A_280 = %while3A_258#0, %while3A_281 = %while3A_258#1) -> (vector<16xf32>, vector<16xi32>)  : i32 {
                  %mul3A_282 = arith.constant 16 : i32
                  %mul3A_283 = arith.muli %while3A_279, %mul3A_282 : i32
                  %add3A_284 = vector.broadcast %mul3A_283 : i32 to vector<16xi32>
                  %add3A_285 = arith.addi %iota3A, %add3A_284 : vector<16xi32>
                  %gather3A_286 = tpu.vector_load_idx %arg20[%add3A_285] : memref<5120xf32, #tpu.memory_space<vmem>>[vector<16xi32>], vector<16xf32>,
                  %gather3A_287 = tpu.vector_load_idx %arg15[%add3A_285] : memref<5120xf32, #tpu.memory_space<vmem>>[vector<16xi32>], vector<16xf32>,
                  %add3A_288 = arith.addf %gather3A_286, %gather3A_287 : vector<16xf32>
                  %lt3A_289 = arith.cmpf olt, %add3A_288, %while3A_280 : vector<16xf32>
                  %select_n3A_290 = arith.select %lt3A_289, %add3A_285, %while3A_281 : vector<16xi1>, vector<16xi32>
                  %select_n3A_291 = arith.select %lt3A_289, %add3A_288, %while3A_280 : vector<16xi1>, vector<16xf32>
                  scf.yield %select_n3A_291, %select_n3A_290 : vector<16xf32>, vector<16xi32>
                }
                %reduce_min3A_261 = arith.constant true
                %reduce_min3A_262 = vector.broadcast %reduce_min3A_261 : i1 to vector<16xi1>
                %reduce_min3A_263 = tpu.scan <min>, %while3A_260#0 masked %reduce_min3A_262 : vector<16xf32>, vector<16xi1> -> vector<16xf32>
                %reduce_min3A_264 = vector.extract %reduce_min3A_263[15] : f32 from vector<16xf32>
                %eq3A_265 = vector.broadcast %reduce_min3A_264 : f32 to vector<16xf32>
                %eq3A_266 = arith.cmpf oeq, %while3A_260#0, %eq3A_265 : vector<16xf32>
                %broadcast_in_dim3A_267 = vector.broadcast %cond3A : i32 to vector<16xi32>
                %select_n3A_268 = arith.select %eq3A_266, %while3A_260#1, %broadcast_in_dim3A_267 : vector<16xi1>, vector<16xi32>
                %reduce_min3A_269 = arith.constant true
                %reduce_min3A_270 = vector.broadcast %reduce_min3A_269 : i1 to vector<16xi1>
                %reduce_min3A_271 = arith.constant -2147483648 : i32
                %reduce_min3A_272 = vector.broadcast %reduce_min3A_271 : i32 to vector<16xi32>
                %reduce_min3A_273 = arith.xori %select_n3A_268, %reduce_min3A_272 : vector<16xi32>
                %reduce_min3A_274 = tpu.scan <min>, %reduce_min3A_273 masked %reduce_min3A_270 : vector<16xi32>, vector<16xi1> -> vector<16xi32>
                %reduce_min3A_275 = arith.xori %reduce_min3A_274, %reduce_min3A_272 : vector<16xi32>
                %reduce_min3A_276 = vector.extract %reduce_min3A_275[15] : i32 from vector<16xi32>
                %broadcast_in_dim3A_277 = vector.broadcast %reduce_min3A_264 : f32 to vector<16xf32>
                tpu.vector_store_idx %arg13[%broadcast_in_dim3A_224], %broadcast_in_dim3A_277 masked %eq3A_8 : memref<1024xf32, #tpu.memory_space<vmem>>[vector<16xi32>], vector<16xf32>, vector<16xi1>
                %broadcast_in_dim3A_278 = vector.broadcast %reduce_min3A_276 : i32 to vector<16xi32>
                tpu.vector_store_idx %arg14[%broadcast_in_dim3A_224], %broadcast_in_dim3A_278 masked %eq3A_8 : memref<1024xi32, #tpu.memory_space<vmem>>[vector<16xi32>], vector<16xi32>, vector<16xi1>
              } else {
              }
            }
          } else {
          }
        } else {
        }
      }
      tpu.enqueue_dma source(%arg17 : memref<5120xi32, #tpu.memory_space<vmem>>) target(%arg10 : memref<5120xi32, #tpu.memory_space<hbm>>) target_semaphore(%arg21 : memref<!tpu.dma_semaphore, #tpu.memory_space<semaphore_mem>>)
      tpu.enqueue_dma source(%arg18 : memref<5120xi32, #tpu.memory_space<vmem>>) target(%arg11 : memref<5120xi32, #tpu.memory_space<hbm>>) target_semaphore(%arg21 : memref<!tpu.dma_semaphore, #tpu.memory_space<semaphore_mem>>)
      tpu.enqueue_dma source(%arg19 : memref<5120xi32, #tpu.memory_space<vmem>>) target(%arg12 : memref<5120xi32, #tpu.memory_space<hbm>>) target_semaphore(%arg21 : memref<!tpu.dma_semaphore, #tpu.memory_space<semaphore_mem>>)
      tpu.wait_dma2 semaphore(%arg21 : memref<!tpu.dma_semaphore, #tpu.memory_space<semaphore_mem>>) src(%arg17 : memref<5120xi32, #tpu.memory_space<vmem>>) dst(%arg10 : memref<5120xi32, #tpu.memory_space<hbm>>)
      tpu.wait_dma2 semaphore(%arg21 : memref<!tpu.dma_semaphore, #tpu.memory_space<semaphore_mem>>) src(%arg18 : memref<5120xi32, #tpu.memory_space<vmem>>) dst(%arg11 : memref<5120xi32, #tpu.memory_space<hbm>>)
      tpu.wait_dma2 semaphore(%arg21 : memref<!tpu.dma_semaphore, #tpu.memory_space<semaphore_mem>>) src(%arg19 : memref<5120xi32, #tpu.memory_space<vmem>>) dst(%arg12 : memref<5120xi32, #tpu.memory_space<hbm>>)
    } else {
    }
    return
  }
}

module attributes {stable_mosaic.version = 14 : i64} {
  func.func @_dense_kernel(%arg0: memref<1x5120xf32, #tpu.memory_space<vmem>>, %arg1: memref<1x5120xi32, #tpu.memory_space<vmem>>, %arg2: memref<5000x2xf32, #tpu.memory_space<vmem>>, %arg3: memref<2x64xf32, #tpu.memory_space<vmem>>, %arg4: memref<64x1xi32, #tpu.memory_space<vmem>>, %arg5: memref<2x5120xf32, #tpu.memory_space<vmem>>, %arg6: memref<64x2xf32, #tpu.memory_space<vmem>>, %arg7: memref<5000x64xf32, #tpu.memory_space<vmem>>, %arg8: memref<64x5120xf32, #tpu.memory_space<vmem>>, %arg9: memref<5000xf32, #tpu.memory_space<vmem>>, %arg10: memref<5120xi32, #tpu.memory_space<vmem>>, %arg11: memref<5120xi32, #tpu.memory_space<vmem>>, %arg12: memref<5120xi32, #tpu.memory_space<vmem>>, %arg13: memref<1024xf32, #tpu.memory_space<vmem>>, %arg14: memref<1024xi32, #tpu.memory_space<vmem>>, %arg15: memref<5120xf32, #tpu.memory_space<vmem>>) attributes {dimension_semantics = [], scalar_prefetch = 0 : i64, scratch_operands = 0 : i64, tpu.core_type = #tpu.core_type<tc>} {
    %get3A = arith.constant 0 : index
    %get3A_0 = arith.constant 0 : index
    %get3A_1 = vector.load %arg2[%get3A, %get3A_0] : memref<5000x2xf32, #tpu.memory_space<vmem>>, vector<5000x1xf32>
    %get3A_2 = arith.constant 0 : index
    %get3A_3 = arith.constant 1 : index
    %get3A_4 = vector.load %arg2[%get3A_2, %get3A_3] : memref<5000x2xf32, #tpu.memory_space<vmem>>, vector<5000x1xf32>
    %get3A_5 = arith.constant 0 : index
    %get3A_6 = arith.constant 0 : index
    %get3A_7 = vector.load %arg3[%get3A_5, %get3A_6] : memref<2x64xf32, #tpu.memory_space<vmem>>, vector<1x64xf32>
    %get3A_8 = arith.constant 1 : index
    %get3A_9 = arith.constant 0 : index
    %get3A_10 = vector.load %arg3[%get3A_8, %get3A_9] : memref<2x64xf32, #tpu.memory_space<vmem>>, vector<1x64xf32>
    %sub3A = vector.broadcast %get3A_1 : vector<5000x1xf32> to vector<5000x64xf32>
    %sub3A_11 = vector.broadcast %get3A_7 : vector<1x64xf32> to vector<5000x64xf32>
    %sub3A_12 = arith.subf %sub3A, %sub3A_11 : vector<5000x64xf32>
    %integer_pow3A = arith.mulf %sub3A_12, %sub3A_12 : vector<5000x64xf32>
    %sub3A_13 = vector.broadcast %get3A_4 : vector<5000x1xf32> to vector<5000x64xf32>
    %sub3A_14 = vector.broadcast %get3A_10 : vector<1x64xf32> to vector<5000x64xf32>
    %sub3A_15 = arith.subf %sub3A_13, %sub3A_14 : vector<5000x64xf32>
    %integer_pow3A_16 = arith.mulf %sub3A_15, %sub3A_15 : vector<5000x64xf32>
    %add3A = arith.addf %integer_pow3A, %integer_pow3A_16 : vector<5000x64xf32>
    %swap3A = arith.constant 0 : index
    %swap3A_17 = arith.constant 0 : index
    %swap3A_18 = vector.load %arg7[%swap3A, %swap3A_17] : memref<5000x64xf32, #tpu.memory_space<vmem>>, vector<5000x64xf32>
    tpu.vector_store %arg7[%swap3A, %swap3A_17], %add3A {strides = array<i32>} : memref<5000x64xf32, #tpu.memory_space<vmem>>, vector<5000x64xf32>,
    %get3A_19 = arith.constant 0 : index
    %get3A_20 = arith.constant 0 : index
    %get3A_21 = vector.load %arg5[%get3A_19, %get3A_20] : memref<2x5120xf32, #tpu.memory_space<vmem>>, vector<1x5120xf32>
    %get3A_22 = arith.constant 1 : index
    %get3A_23 = arith.constant 0 : index
    %get3A_24 = vector.load %arg5[%get3A_22, %get3A_23] : memref<2x5120xf32, #tpu.memory_space<vmem>>, vector<1x5120xf32>
    %get3A_25 = arith.constant 0 : index
    %get3A_26 = arith.constant 0 : index
    %get3A_27 = vector.load %arg6[%get3A_25, %get3A_26] : memref<64x2xf32, #tpu.memory_space<vmem>>, vector<64x1xf32>
    %get3A_28 = arith.constant 0 : index
    %get3A_29 = arith.constant 1 : index
    %get3A_30 = vector.load %arg6[%get3A_28, %get3A_29] : memref<64x2xf32, #tpu.memory_space<vmem>>, vector<64x1xf32>
    %iota3A = tpu.iota {dimensions = array<i32: 1>} : vector<64x5120xi32>
    %lt3A = arith.constant 5000 : i32
    %lt3A_31 = vector.broadcast %lt3A : i32 to vector<64x5120xi32>
    %lt3A_32 = arith.cmpi slt, %iota3A, %lt3A_31 : vector<64x5120xi32>
    %sub3A_33 = vector.broadcast %get3A_27 : vector<64x1xf32> to vector<64x5120xf32>
    %sub3A_34 = vector.broadcast %get3A_21 : vector<1x5120xf32> to vector<64x5120xf32>
    %sub3A_35 = arith.subf %sub3A_33, %sub3A_34 : vector<64x5120xf32>
    %integer_pow3A_36 = arith.mulf %sub3A_35, %sub3A_35 : vector<64x5120xf32>
    %sub3A_37 = vector.broadcast %get3A_30 : vector<64x1xf32> to vector<64x5120xf32>
    %sub3A_38 = vector.broadcast %get3A_24 : vector<1x5120xf32> to vector<64x5120xf32>
    %sub3A_39 = arith.subf %sub3A_37, %sub3A_38 : vector<64x5120xf32>
    %integer_pow3A_40 = arith.mulf %sub3A_39, %sub3A_39 : vector<64x5120xf32>
    %add3A_41 = arith.addf %integer_pow3A_36, %integer_pow3A_40 : vector<64x5120xf32>
    %jit3A = arith.constant 0x7F800000 : f32
    %broadcast_in_dim3A = vector.broadcast %jit3A : f32 to vector<64x5120xf32>
    %select_n3A = arith.select %lt3A_32, %add3A_41, %broadcast_in_dim3A : vector<64x5120xi1>, vector<64x5120xf32>
    %swap3A_42 = arith.constant 0 : index
    %swap3A_43 = arith.constant 0 : index
    %swap3A_44 = vector.load %arg8[%swap3A_42, %swap3A_43] : memref<64x5120xf32, #tpu.memory_space<vmem>>, vector<64x5120xf32>
    tpu.vector_store %arg8[%swap3A_42, %swap3A_43], %select_n3A {strides = array<i32>} : memref<64x5120xf32, #tpu.memory_space<vmem>>, vector<64x5120xf32>,
    %get3A_45 = arith.constant 0 : index
    %get3A_46 = arith.constant 0 : index
    %get3A_47 = vector.load %arg4[%get3A_45, %get3A_46] : memref<64x1xi32, #tpu.memory_space<vmem>>, vector<64x1xi32>
    %get3A_48 = arith.constant 0 : index
    %get3A_49 = arith.constant 0 : index
    %get3A_50 = vector.load %arg1[%get3A_48, %get3A_49] : memref<1x5120xi32, #tpu.memory_space<vmem>>, vector<1x5120xi32>
    %eq3A = vector.broadcast %get3A_47 : vector<64x1xi32> to vector<64x5120xi32>
    %eq3A_51 = vector.broadcast %get3A_50 : vector<1x5120xi32> to vector<64x5120xi32>
    %eq3A_52 = arith.cmpi eq, %eq3A, %eq3A_51 : vector<64x5120xi32>
    %lt3A_53 = arith.constant 5000 : i32
    %lt3A_54 = vector.broadcast %lt3A_53 : i32 to vector<64x5120xi32>
    %lt3A_55 = arith.cmpi slt, %iota3A, %lt3A_54 : vector<64x5120xi32>
    %and3A = arith.andi %eq3A_52, %lt3A_55 : vector<64x5120xi1>
    %iota3A_56 = tpu.iota {dimensions = array<i32: 0>} : vector<64x5120xi32>
    %jit3A_57 = arith.constant 64 : i64
    %convert_element_type3A = arith.trunci %jit3A_57 : i64 to i32
    %broadcast_in_dim3A_58 = vector.broadcast %convert_element_type3A : i32 to vector<64x5120xi32>
    %select_n3A_59 = arith.select %and3A, %iota3A_56, %broadcast_in_dim3A_58 : vector<64x5120xi1>, vector<64x5120xi32>
    %reduce_min3A = arith.constant dense<2147483647> : vector<5120xi32>
    %reduce_min3A_60 = vector.multi_reduction <minsi>, %select_n3A_59, %reduce_min3A [0] : vector<64x5120xi32> to vector<5120xi32>
    %broadcast_in_dim3A_61 = vector.shape_cast %reduce_min3A_60 : vector<5120xi32> to vector<1x5120xi32>
    %lt3A_62 = arith.constant 64 : i32
    %lt3A_63 = vector.broadcast %lt3A_62 : i32 to vector<1x5120xi32>
    %lt3A_64 = arith.cmpi slt, %broadcast_in_dim3A_61, %lt3A_63 : vector<1x5120xi32>
    %convert_element_type3A_65 = arith.extui %and3A : vector<64x5120xi1> to vector<64x5120xi32>
    %reduce_max3A = arith.constant dense<-2147483648> : vector<64xi32>
    %reduce_max3A_66 = vector.multi_reduction <maxsi>, %convert_element_type3A_65, %reduce_max3A [1] : vector<64x5120xi32> to vector<64xi32>
    %broadcast_in_dim3A_67 = vector.shape_cast %reduce_max3A_66 : vector<64xi32> to vector<64x1xi32>
    %gt3A = arith.constant 0 : i32
    %gt3A_68 = vector.broadcast %gt3A : i32 to vector<64x1xi32>
    %gt3A_69 = arith.cmpi sgt, %broadcast_in_dim3A_67, %gt3A_68 : vector<64x1xi32>
    %iota3A_70 = tpu.iota {dimensions = array<i32: 1>} : vector<1x5120xi32>
    %ge3A = arith.constant 5000 : i32
    %ge3A_71 = vector.broadcast %ge3A : i32 to vector<1x5120xi32>
    %ge3A_72 = arith.cmpi sge, %iota3A_70, %ge3A_71 : vector<1x5120xi32>
    %or3A = arith.ori %lt3A_64, %ge3A_72 : vector<1x5120xi1>
    %jit3A_73 = arith.constant 0x7F800000 : f32
    %jit3A_74 = arith.constant 0.000000e+00 : f32
    %broadcast_in_dim3A_75 = vector.broadcast %jit3A_73 : f32 to vector<1x5120xf32>
    %broadcast_in_dim3A_76 = vector.broadcast %jit3A_74 : f32 to vector<1x5120xf32>
    %select_n3A_77 = arith.select %or3A, %broadcast_in_dim3A_75, %broadcast_in_dim3A_76 : vector<1x5120xi1>, vector<1x5120xf32>
    %reshape3A = vector.shape_cast %select_n3A_77 : vector<1x5120xf32> to vector<5120xf32>
    %swap3A_78 = arith.constant 0 : index
    %swap3A_79 = vector.load %arg15[%swap3A_78] : memref<5120xf32, #tpu.memory_space<vmem>>, vector<5120xf32>
    tpu.vector_store %arg15[%swap3A_78], %reshape3A {strides = array<i32>} : memref<5120xf32, #tpu.memory_space<vmem>>, vector<5120xf32>,
    %add3A_80 = vector.broadcast %select_n3A_77 : vector<1x5120xf32> to vector<64x5120xf32>
    %add3A_81 = arith.addf %select_n3A, %add3A_80 : vector<64x5120xf32>
    %reduce_min3A_82 = arith.constant dense<0x7F800000> : vector<64xf32>
    %reduce_min3A_83 = vector.multi_reduction <minimumf>, %add3A_81, %reduce_min3A_82 [1] : vector<64x5120xf32> to vector<64xf32>
    %broadcast_in_dim3A_84 = vector.shape_cast %reduce_min3A_83 : vector<64xf32> to vector<64x1xf32>
    %eq3A_85 = vector.broadcast %broadcast_in_dim3A_84 : vector<64x1xf32> to vector<64x5120xf32>
    %eq3A_86 = arith.cmpf oeq, %add3A_81, %eq3A_85 : vector<64x5120xf32>
    %jit3A_87 = arith.constant 1073741824 : i32
    %broadcast_in_dim3A_88 = vector.broadcast %jit3A_87 : i32 to vector<64x5120xi32>
    %select_n3A_89 = arith.select %eq3A_86, %iota3A, %broadcast_in_dim3A_88 : vector<64x5120xi1>, vector<64x5120xi32>
    %reduce_min3A_90 = arith.constant dense<2147483647> : vector<64xi32>
    %reduce_min3A_91 = vector.multi_reduction <minsi>, %select_n3A_89, %reduce_min3A_90 [1] : vector<64x5120xi32> to vector<64xi32>
    %broadcast_in_dim3A_92 = vector.shape_cast %reduce_min3A_91 : vector<64xi32> to vector<64x1xi32>
    %jit3A_93 = arith.constant 0x7F800000 : f32
    %broadcast_in_dim3A_94 = vector.broadcast %jit3A_93 : f32 to vector<64x1xf32>
    %select_n3A_95 = arith.select %gt3A_69, %broadcast_in_dim3A_94, %broadcast_in_dim3A_84 : vector<64x1xi1>, vector<64x1xf32>
    %transpose3A = tpu.transpose %select_n3A_95, [1, 0] : vector<64x1xf32> -> vector<1x64xf32>
    %transpose3A_96 = tpu.transpose %broadcast_in_dim3A_92, [1, 0] : vector<64x1xi32> -> vector<1x64xi32>
    %reshape3A_97 = vector.shape_cast %transpose3A : vector<1x64xf32> to vector<64xf32>
    %swap3A_98 = arith.constant 0 : index
    %swap3A_99 = vector.load %arg13[%swap3A_98] : memref<1024xf32, #tpu.memory_space<vmem>>, vector<64xf32>
    tpu.vector_store %arg13[%swap3A_98], %reshape3A_97 {strides = array<i32>} : memref<1024xf32, #tpu.memory_space<vmem>>, vector<64xf32>,
    %broadcast_in_dim3A_100 = arith.constant 0x7F800000 : f32
    %broadcast_in_dim3A_101 = vector.broadcast %broadcast_in_dim3A_100 : f32 to vector<960xf32>
    %swap3A_102 = arith.constant 64 : index
    %swap3A_103 = vector.load %arg13[%swap3A_102] : memref<1024xf32, #tpu.memory_space<vmem>>, vector<960xf32>
    tpu.vector_store %arg13[%swap3A_102], %broadcast_in_dim3A_101 {strides = array<i32>} : memref<1024xf32, #tpu.memory_space<vmem>>, vector<960xf32>,
    %reshape3A_104 = vector.shape_cast %transpose3A_96 : vector<1x64xi32> to vector<64xi32>
    %swap3A_105 = arith.constant 0 : index
    %swap3A_106 = vector.load %arg14[%swap3A_105] : memref<1024xi32, #tpu.memory_space<vmem>>, vector<64xi32>
    tpu.vector_store %arg14[%swap3A_105], %reshape3A_104 {strides = array<i32>} : memref<1024xi32, #tpu.memory_space<vmem>>, vector<64xi32>,
    %broadcast_in_dim3A_107 = arith.constant 1073741824 : i32
    %broadcast_in_dim3A_108 = vector.broadcast %broadcast_in_dim3A_107 : i32 to vector<960xi32>
    %swap3A_109 = arith.constant 64 : index
    %swap3A_110 = vector.load %arg14[%swap3A_109] : memref<1024xi32, #tpu.memory_space<vmem>>, vector<960xi32>
    tpu.vector_store %arg14[%swap3A_109], %broadcast_in_dim3A_108 {strides = array<i32>} : memref<1024xi32, #tpu.memory_space<vmem>>, vector<960xi32>,
    %jit3A_111 = arith.constant -1 : i32
    %broadcast_in_dim3A_112 = vector.broadcast %jit3A_111 : i32 to vector<1x5120xi32>
    %select_n3A_113 = arith.select %lt3A_64, %broadcast_in_dim3A_61, %broadcast_in_dim3A_112 : vector<1x5120xi1>, vector<1x5120xi32>
    %reshape3A_114 = vector.shape_cast %select_n3A_113 : vector<1x5120xi32> to vector<5120xi32>
    %swap3A_115 = arith.constant 0 : index
    %swap3A_116 = vector.load %arg10[%swap3A_115] : memref<5120xi32, #tpu.memory_space<vmem>>, vector<5120xi32>
    tpu.vector_store %arg10[%swap3A_115], %reshape3A_114 {strides = array<i32>} : memref<5120xi32, #tpu.memory_space<vmem>>, vector<5120xi32>,
    %lt3A_117 = arith.constant 5000 : i32
    %lt3A_118 = vector.broadcast %lt3A_117 : i32 to vector<1x5120xi32>
    %lt3A_119 = arith.cmpi slt, %iota3A_70, %lt3A_118 : vector<1x5120xi32>
    %get3A_120 = arith.constant 0 : index
    %get3A_121 = arith.constant 0 : index
    %get3A_122 = vector.load %arg1[%get3A_120, %get3A_121] : memref<1x5120xi32, #tpu.memory_space<vmem>>, vector<1x5120xi32>
    %jit3A_123 = arith.constant 0 : i32
    %broadcast_in_dim3A_124 = vector.broadcast %jit3A_123 : i32 to vector<1x5120xi32>
    %select_n3A_125 = arith.select %lt3A_119, %get3A_122, %broadcast_in_dim3A_124 : vector<1x5120xi1>, vector<1x5120xi32>
    %reshape3A_126 = vector.shape_cast %select_n3A_125 : vector<1x5120xi32> to vector<5120xi32>
    %swap3A_127 = arith.constant 0 : index
    %swap3A_128 = vector.load %arg11[%swap3A_127] : memref<5120xi32, #tpu.memory_space<vmem>>, vector<5120xi32>
    tpu.vector_store %arg11[%swap3A_127], %reshape3A_126 {strides = array<i32>} : memref<5120xi32, #tpu.memory_space<vmem>>, vector<5120xi32>,
    %jit3A_129 = arith.constant 2 : i32
    %jit3A_130 = arith.constant 0 : i32
    %broadcast_in_dim3A_131 = vector.broadcast %jit3A_129 : i32 to vector<1x5120xi32>
    %broadcast_in_dim3A_132 = vector.broadcast %jit3A_130 : i32 to vector<1x5120xi32>
    %select_n3A_133 = arith.select %lt3A_64, %broadcast_in_dim3A_131, %broadcast_in_dim3A_132 : vector<1x5120xi1>, vector<1x5120xi32>
    %get3A_134 = arith.constant 0 : index
    %get3A_135 = arith.constant 0 : index
    %get3A_136 = vector.load %arg0[%get3A_134, %get3A_135] : memref<1x5120xf32, #tpu.memory_space<vmem>>, vector<1x5120xf32>
    %gt3A_137 = arith.constant 5.000000e-01 : f32
    %gt3A_138 = vector.broadcast %gt3A_137 : f32 to vector<1x5120xf32>
    %gt3A_139 = arith.cmpf ogt, %get3A_136, %gt3A_138 : vector<1x5120xf32>
    %jit3A_140 = arith.constant 10 : i32
    %jit3A_141 = arith.constant 0 : i32
    %broadcast_in_dim3A_142 = vector.broadcast %jit3A_140 : i32 to vector<1x5120xi32>
    %broadcast_in_dim3A_143 = vector.broadcast %jit3A_141 : i32 to vector<1x5120xi32>
    %select_n3A_144 = arith.select %gt3A_139, %broadcast_in_dim3A_142, %broadcast_in_dim3A_143 : vector<1x5120xi1>, vector<1x5120xi32>
    %add3A_145 = arith.addi %select_n3A_133, %select_n3A_144 : vector<1x5120xi32>
    %reshape3A_146 = vector.shape_cast %add3A_145 : vector<1x5120xi32> to vector<5120xi32>
    %swap3A_147 = arith.constant 0 : index
    %swap3A_148 = vector.load %arg12[%swap3A_147] : memref<5120xi32, #tpu.memory_space<vmem>>, vector<5120xi32>
    tpu.vector_store %arg12[%swap3A_147], %reshape3A_146 {strides = array<i32>} : memref<5120xi32, #tpu.memory_space<vmem>>, vector<5120xi32>,
    %get3A_149 = arith.constant 0 : index
    %get3A_150 = arith.constant 0 : index
    %get3A_151 = vector.load %arg0[%get3A_149, %get3A_150] : memref<1x5120xf32, #tpu.memory_space<vmem>>, vector<1x5000xf32>
    %logistic3A = arith.negf %get3A_151 : vector<1x5000xf32>
    %logistic3A_152 = math.exp %logistic3A : vector<1x5000xf32>
    %logistic3A_153 = arith.constant 1.000000e+00 : f32
    %logistic3A_154 = vector.broadcast %logistic3A_153 : f32 to vector<1x5000xf32>
    %logistic3A_155 = arith.addf %logistic3A_154, %logistic3A_152 : vector<1x5000xf32>
    %logistic3A_156 = arith.divf %logistic3A_154, %logistic3A_155 : vector<1x5000xf32>
    %reshape3A_157 = vector.shape_cast %logistic3A_156 : vector<1x5000xf32> to vector<5000xf32>
    %swap3A_158 = arith.constant 0 : index
    %swap3A_159 = vector.load %arg9[%swap3A_158] : memref<5000xf32, #tpu.memory_space<vmem>>, vector<5000xf32>
    tpu.vector_store %arg9[%swap3A_158], %reshape3A_157 {strides = array<i32>} : memref<5000xf32, #tpu.memory_space<vmem>>, vector<5000xf32>,
    return
  }
}

</mosaic_0001>

<sc_bundles>
// kernel: kernel.4.cloned.1.call-start
scs
__scs_entry_jumppad:
0x0: {  	(pc) =	sbr.rel $0x88, $3  }
0x1: {  	(tag) =	ssettag $0x0;
	lr =	simm.s32 $0x1  }
0x2: {  	[smem:$0x3F9B] =	sst lr;
	_ =	strace $0xD0000000  }
0x3: {  	_ = 	snop  }
0x4: {  	_ = 	snop  }
0x5: {  	_ = 	snop  }
0x6: {  	_ = 	snop  }
0x7: {  	_ = 	snop  }
__scs_overlays_trampoline_lowered:
0x8: {  	[smem:$0x3FAA] =	sst s0  }
0x9: {  	[smem:$0x3FAB] =	sst s1  }
0xa: {  	[smem:$0x3FAC] =	sst s2  }
0xb: {  	[smem:$0x3FAD] =	sst s3  }
0xc: {  	[smem:$0x3FAE] =	sst s4  }
0xd: {  	[smem:$0x3FAF] =	sst s5  }
0xe: {  	[smem:$0x3FB0] =	sst s6  }
0xf: {  	[smem:$0x3FB1] =	sst s7  }
0x10: {  	[smem:$0x3FB2] =	sst s8  }
0x11: {  	[smem:$0x3FB3] =	sst s9;
	s0 =	simm.s32 @!p0 $0x0  }
0x12: {  	s1 =	sld [smem:$0x3F99];
	s0 =	simm.s32 @p0 $0x1  }
0x13: {  	[smem:$0x3FB4] =	sst s0;
	s0 =	simm.s32 @!p1 $0x0  }
0x14: {  	s2 =	sld [smem:$0x3F98];
	s0 =	simm.s32 @p1 $0x1  }
0x15: {  	[smem:$0x3FB5] =	sst s0;
	s0 =	simm.s32 @!p2 $0x0  }
0x16: {  	s3 =	sld [smem:$0x3FDB];
	s0 =	simm.s32 @p2 $0x1  }
0x17: {  	s4 =	simm.s32 $0x1BF5;
	[smem:$0x3FB7] =	sst s0  }
0x18: {  	s0 =	sld [smem:$0x3F9A];
	_ =	swait.ge [sflag:s4], $0x0  }
0x19: {  	s7 =	sld [smem:$0x3F9B]  }
0x1a: {  	s8 =	sadd.s32 $0xFFFFE003, lr  }
0x1b: {  	s9 =	sadd.s32 $0xFFFFFEF7, lr;
	s5 =	simm.s32 $0xFFFFFFFF;
	p2 =	slt.u32 s8, $0xFFFFF086  }
0x1c: {  	p1 =	slt.u32 s9, $0xF7A;
	s5 =	simm.s32 @!p2 $0x0  }
0x1d: {  	s5 =	simm.s32 @p1 $0x1;
	p0 =	seq.s32 s7, s2  }
0x1e: {  	s7 =	smul.u32 @!p0 $0xF7A, s2;
	p2 =	seq.s32 @!p0 s5, $0x0  }
0x1f: {  	s9 =	smul.u32 $0xF7A, s1;
	s8 =	simm.s32 @!p0 $0x1BF5;
	p2 =	por !p2, p0  }
0x20: {  	[sflag:s8] =	ssyncset.s32 @!p0 $0xFFFFF086;
	s6 =	sadd.s32 @!p0 s3, s7;
	s7 =	simm.s32 @!p0 $0x108  }
0x21: {  	s3 =	sadd.s32 s3, s9;
	s6 =	sadd.s32 @!p0 $0x88, s6;
	s7 =	simm.s32 @p2 $0x1082  }
0x22: {  	[simem:s7], [sflag:s8] =	dma.local @!p0 [hbm:s6], $0xF7A  }
0x23: {  	s9 =	sor.u32 $0xD0000000, s2;
	s6 =	simm.s32 $0x108;
	_ =	swait.ge @!p0 [sflag:s8], $0x0  }
0x24: {  	s3 =	sadd.s32 $0x88, s3;
	s6 =	simm.s32 @!p1 $0x1082;
	[sflag:s4] =	ssyncset.s32 $0xFFFFF086  }
0x25: {  	[simem:s6], [sflag:s4] =	dma.local [hbm:s3], $0xF7A  }
0x26: {  	[smem:$0x3F9B] =	sst s1;
	(tag) =	ssettag s2;
	_ =	strace s9  }
0x27: {  	s1 =	sld [smem:$0x3FAB]  }
0x28: {  	s2 =	sld [smem:$0x3FAC]  }
0x29: {  	s4 =	sld [smem:$0x3FAE]  }
0x2a: {  	p0 =	seq.s32 s5, $0x0;
	s5 =	sld [smem:$0x3FAF]  }
0x2b: {  	s6 =	sld [smem:$0x3FB0]  }
0x2c: {  	s7 =	sld [smem:$0x3FB1]  }
0x2d: {  	s3 =	simm.s32 $0x108;
	s8 =	sld [smem:$0x3FB2]  }
0x2e: {  	s3 =	simm.s32 @!p0 $0x1082;
	s9 =	sld [smem:$0x3FB3]  }
0x2f: {  	lr =	sadd.s32 s0, s3;
	s0 =	sld [smem:$0x3FAA]  }
0x30: {  	s3 =	sld [smem:$0x3FAD]  }
0x31: {  	[smem:$0x3FB6] =	sst s10  }
0x32: {  	s10 =	sld [smem:$0x3FB4];
	_ =	sdelay $0x3  }
0x33: {  	p0 =	seq.s32 s10, $0x1;
	s10 =	sld [smem:$0x3FB6];
	_ =	sdelay $0x3  }
0x34: {  	[smem:$0x3FB6] =	sst s10  }
0x35: {  	s10 =	sld [smem:$0x3FB5];
	_ =	sdelay $0x3  }
0x36: {  	p1 =	seq.s32 s10, $0x1;
	s10 =	sld [smem:$0x3FB6];
	_ =	sdelay $0x3  }
0x37: {  	[smem:$0x3FB6] =	sst s10  }
0x38: {  	s10 =	sld [smem:$0x3FB7]  }
0x39: {  	_ = 	snop;
	(pc) =	sbr.ind lr, $3  }
0x3a: {  	_ = 	snop  }
0x3b: {  	_ = 	snop  }
0x3c: {  	p2 =	seq.s32 s10, $0x1;
	s10 =	sld [smem:$0x3FB6]  }
0x3d: {  	_ =	shalt  }
0x3e: {  	_ =	shalt  }
0x3f: {  	_ =	shalt  }
0x40: {  	_ =	shalt  }
0x41: {  	_ =	shalt  }
0x42: {  	_ =	shalt  }
0x43: {  	_ =	shalt  }
0x44: {  	_ =	shalt  }
0x45: {  	_ =	shalt  }
0x46: {  	_ =	shalt  }
0x47: {  	_ =	shalt  }
0x48: {  	_ =	shalt  }
0x49: {  	_ =	shalt  }
0x4a: {  	_ =	shalt  }
0x4b: {  	_ =	shalt  }
0x4c: {  	_ =	shalt  }
0x4d: {  	_ =	shalt  }
0x4e: {  	_ =	shalt  }
0x4f: {  	_ =	shalt  }
0x50: {  	_ =	shalt  }
0x51: {  	_ =	shalt  }
0x52: {  	_ =	shalt  }
0x53: {  	_ =	shalt  }
0x54: {  	_ =	shalt  }
0x55: {  	_ =	shalt  }
0x56: {  	_ =	shalt  }
0x57: {  	_ =	shalt  }
0x58: {  	_ =	shalt  }
0x59: {  	_ =	shalt  }
0x5a: {  	_ =	shalt  }
0x5b: {  	_ =	shalt  }
0x5c: {  	_ =	shalt  }
0x5d: {  	_ =	shalt  }
0x5e: {  	_ =	shalt  }
0x5f: {  	_ =	shalt  }
0x60: {  	_ =	shalt  }
0x61: {  	_ =	shalt  }
0x62: {  	_ =	shalt  }
0x63: {  	_ =	shalt  }
0x64: {  	_ =	shalt  }
0x65: {  	_ =	shalt  }
0x66: {  	_ =	shalt  }
0x67: {  	_ =	shalt  }
0x68: {  	_ =	shalt  }
0x69: {  	_ =	shalt  }
0x6a: {  	_ =	shalt  }
0x6b: {  	_ =	shalt  }
0x6c: {  	_ =	shalt  }
0x6d: {  	_ =	shalt  }
0x6e: {  	_ =	shalt  }
0x6f: {  	_ =	shalt  }
0x70: {  	_ =	shalt  }
0x71: {  	_ =	shalt  }
0x72: {  	_ =	shalt  }
0x73: {  	_ =	shalt  }
0x74: {  	_ =	shalt  }
0x75: {  	_ =	shalt  }
0x76: {  	_ =	shalt  }
0x77: {  	_ =	shalt  }
0x78: {  	_ =	shalt  }
0x79: {  	_ =	shalt  }
0x7a: {  	_ =	shalt  }
0x7b: {  	_ =	shalt  }
0x7c: {  	_ =	shalt  }
0x7d: {  	_ =	shalt  }
0x7e: {  	_ =	shalt  }
0x7f: {  	_ =	shalt  }
0x80: {  	_ =	shalt  }
0x81: {  	_ =	shalt  }
0x82: {  	_ =	shalt  }
0x83: {  	_ =	shalt  }
0x84: {  	_ =	shalt  }
0x85: {  	_ =	shalt  }
0x86: {  	_ =	shalt  }
0x87: {  	_ =	shalt  }
.Lfunc_end0:
.L_simem_size_0:
called_computation_lowered:
.L_overlay_start_0:
0x88: {  	s2 =	sld [smem:$0x3FD9]  }
0x89: {  	s3 =	sld [smem:$0x3FFE];
	_ =	sdelay $0x1  }
0x8a: {  	s1 =	srdreg.scid  }
0x8b: {  	s0 =	sand.u32 $0x1, s1  }
0x8c: {  	s14 =	sshll.u32 s0, $0xA;
	s2 =	sadd.s32 s3, s2  }
0x8d: {  	s2 =	sadd.s32 s2, s14  }
0x8e: {  	[smem:$0x3FC2] =	sst s2  }
0x8f: {  	_ = 	snop  }
0x90: {  	s2 =	sld [smem:$0x3FD0];
	_ =	sdelay $0x2  }
0x91: {  	s15 =	simm.s32 $0xA;
	s4 =	simm.s32 $0x10  }
0x92: {  	[smem:s4], [sflag:s15] =	dma.local [hbm:s2], $0x1  }
0x93: {  	_ =	swait.eq [sflag:s15], $0x1  }
0x94: {  	s16 =	sld [smem:$0x12];
	[sflag:s15] =	ssyncset.done $0x0  }
0x95: {  	s17 =	sld [smem:$0x13];
	[sflag:s15] =	ssyncadd.s32 $0xFFFFFFFF  }
0x96: {  	s18 =	sld [smem:$0x14];
	(tm) =	ssettm $0x1  }
0x97: {  	s5 =	sld [smem:$0x3FFB];
	_ =	sdelay $0x3  }
0x98: {  	_ =	strace s5  }
0x99: {  	s5 =	sld [smem:$0x3FFC];
	_ =	sdelay $0x3  }
0x9a: {  	_ =	strace s5  }
0x9b: {  	s5 =	sld [smem:$0x3FFD];
	_ =	sdelay $0x3  }
0x9c: {  	_ =	strace s5  }
0x9d: {  	_ =	strace $0x8FFFFFFF  }
0x9e: {  	s19 =	sld [smem:$0x3FDB];
	_ =	sdelay $0x1  }
0x9f: {  	s6 =	simm.s32 $_scs_section_size  }
0xa0: {  	s7 =	simm.s32 $_size__tile_overlayer_lowered;
	s8 =	simm.s32 $_tile_overlayer_lowered  }
0xa1: {  	s22 =	simm.s32 $0x1BFF;
	s21 =	sshll.u32 s8, $0x1;
	s5 =	sadd.s32 s6, s19  }
0xa2: {  	s9 =	simm.s32 $0x0;
	s20 =	sshll.u32 s7, $0x1;
	s7 =	sadd.s32 s21, s5  }
0xa3: {  	[timem:s9], [sflag:s22] =	dma.local [hbm:s7], s20  }
0xa4: {  	_ =	swait.ge [sflag:s22], s20  }
0xa5: {  	s6 =	ssub.s32 $0x0, s20;
	[sflag:s22] =	ssyncset.done $0x0  }
0xa6: {  	[sflag:s22] =	ssyncadd.s32 s6;
	_ =	sdelay $0x1  }
0xa7: {  	s23 =	simm.s32 $0x1B8B  }
0xa8: {  	_ =	swait.ge [sflag:s23], $0x1  }
0xa9: {  	[sflag:s23] =	ssyncset.done $0x0  }
0xaa: {  	s25 =	simm.s32 $0x1B8E;
	s24 =	sld [smem:$0x3FFE];
	[sflag:s23] =	ssyncadd.s32 $0xFFFFFFFF  }
0xab: {  	s26 =	simm.s32 $execute0_lowered;
	[smem:$0x3FD2] =	sst s25  }
0xac: {  	s7 =	sshll.u32 s26, $0x1;
	_ =	strace $0x80000046;
	[dreg:$0x1] =	wrdreg $0xFFFFFFFF  }
0xad: {  	s28 =	simm.s32 $_size_execute0_lowered;
	s5 =	sadd.s32 s5, s7;
	[dreg:$0x0] =	wrdreg $0x0  }
0xae: {  	s7 =	sshll.u32 s28, $0x1;
	[dreg:$0x2] =	wrdreg s5  }
0xaf: {  	[dreg:$0x3] =	wrdreg s7  }
0xb0: {  	[dreg:$0x4] =	wrdreg $0xC0  }
0xb1: {  	_ =	task [dreg:s9], $0x5FFFF  }
0xb2: {  	[dreg:$0x1] =	wrdreg $0xFFFFFFFF  }
0xb3: {  	[dreg:$0x0] =	wrdreg $0x60  }
0xb4: {  	[dreg:$0x2] =	wrdreg s24  }
0xb5: {  	[dreg:$0x3] =	wrdreg s18  }
0xb6: {  	[dreg:$0x4] =	wrdreg s17  }
0xb7: {  	[dreg:$0x5] =	wrdreg s16  }
0xb8: {  	[dreg:$0x6] =	wrdreg $0x9  }
0xb9: {  	_ =	task.clear_ibuf [dreg:s9], $0x7FFFF;
	_ =	strace $0x90000046  }
0xba: {  	s29 =	simm.s32 $0x9;
	_ =	strace $0x80000048  }
0xbb: {  	_ =	swait.ge [sflag:s29], $0x1  }
0xbc: {  	[sflag:s29] =	ssyncadd.s32 $0xFFFFFFFF  }
0xbd: {  	_ =	strace $0x90000048  }
0xbe: {  	_ =	sfence  }
0xbf: {  	s30 =	sld [smem:$0x0];
	_ =	sdelay $0x2  }
0xc0: {  	s31 =	sshll.u32 s1, $0xD;
	s1 =	sshrl.u32 s1, $0x2  }
0xc1: {  	s3 =	sand.u32 $0x4000, s31;
	s1 =	sadd.s32 s1, s30  }
0xc2: {  	s0 =	sor.u32 s3, s0;
	s1 =	sshll.u32 s1, $0x11  }
0xc3: {  	s0 =	sor.u32 s1, s0  }
0xc4: {  	s0 =	sadd.s32 $0x8F2B, s0  }
0xc5: {  	[sflag:s0] =	ssyncadd.remote.s32 $0x1  }
0xc6: {  	_ =	sfence.sel $0xFFFF  }
0xc7: {  	[dreg:$0x0] =	wrdreg $0xFFFFFFFF;
	(pc) =	sbr.abs _section_cstart, $3  }
0xc8: {  	[dreg:$0x1] =	wrdreg $0xFFFFFFFF  }
0xc9: {  	_ =	task.clear_ibuf [dreg:s9], $0x2FFFF;
	_ =	strace $0x9FFFFFFF  }
0xca: {  	(tm) =	ssettm $0x7FFFFFFF  }
0xcb: {  	_ =	shalt  }
tec
execute0_lowered:
.L_overlay_start_1:
0x0: {  	(tag) =	ssettag $0x1  }
0x1: {  	s0 =	srdreg.scid  }
0x2: {  	s2 =	stileid.u32;
	s11 =	sand.u32 $0x1, s0  }
0x3: {  	s6 =	sor.u32 s2, s11  }
0x4: {  	s13 =	rddreg [dreg:$0x0];
	p0 =	sne.s32 s6, $0x0  }
.Ltmp0:
0x5: {  	s1 =	rddreg [dreg:$0x1];
	(pc) =	sbr.rel @!p0 .LBB2_1-.Ltmp0, $4  }
0x6: {  	s3 =	rddreg [dreg:$0x2]  }
0x7: {  	s4 =	rddreg [dreg:$0x3];
	s5 =	simm.s32 $0x0  }
0x8: {  	[smem:$0x7FF] =	sst s5  }
0x9: {  	s0 =	rddreg [dreg:$0x4];
	_ =	strace $0x80000047  }
.LBB2_11:
0xa: {  	_ =	sfence.sel $0x180000  }
0xb: {  	[bflag:$0x0] =	sbarrier.arrive $0xFFFF  }
0xc: {  	p0 =	sne.s32 s2, $0x0;
	_ =	strace $0x90000047  }
0xd: {  	s0 =	sadd.s32 @!p0 $0x100000, s0;
	[bflag:$0x2] =	sbarrier.arrive $0xFFFF  }
0xe: {  	[sflag:s0] =	ssyncadd.tile.s32 @!p0 $0x1;
	_ =	shalt  }
.LBB2_1:
0xf: {  	s6 =	sadd.s32 $0x2800, s13  }
0x10: {  	s7 =	sadd.s32 $0x2A00, s13;
	s8 =	sadd.s32 $0x2C00, s13;
	s9 =	sadd.s32 $0xCC00, s13  }
0x11: {  	s10 =	sadd.s32 $0x2000, s13;
	s14 =	ssub.s32 $0x2, s11;
	s11 =	sadd.s32 $0x2400, s13  }
.Ltmp1:
0x12: {  	s12 =	sadd.s32 $0xCE00, s13;
	s13 =	sadd.s32 $0xD200, s13;
	(pc) =	sbr.rel .LBB2_2-.Ltmp1, $4  }
0x13: {  	s16 =	simm.s32 $0x1C00;
	s17 =	simm.s32 $0x800;
	s18 =	simm.s32 $0x2000  }
0x14: {  	s19 =	simm.s32 $0x3400;
	s20 =	simm.s32 $0x4800;
	s21 =	simm.s32 $0x1  }
0x15: {  	v0 =	vlaneseq.u32;
	s22 =	simm.s32 $0x0;
	s23 =	simm.s32 $0x5C00;
	s15 =	sshrl.u32 s14, $0x1  }
0x16: {  	s24 =	simm.s32 $0x2;
	v1 =	vor.u32 $0x10, v0;
	v2 =	vor.u32 $0x20, v0;
	v3 =	vor.u32 $0x30, v0;
	s14 =	ssub.s32 s14, s15;
	s15 =	simm.s32 $0x400  }
.LBB2_10:
0x17: {  	[hbm4b:s12+s22] =	stream.linear.scatter [tilespmem:s18], [sflag:$0x1], $0x1400, $0x38;
	[tilespmem:$0x7000] =	vst v63  }
0x18: {  	_ = 	snop  }
0x19: {  	[hbm4b:s13+s22] =	stream.linear.scatter [tilespmem:s19], [sflag:$0x1], $0x1400, $0x38;
	[tilespmem:$0x7000] =	vst v63  }
0x1a: {  	_ = 	snop  }
0x1b: {  	[hbm4b:s4+s22] =	stream.linear.scatter [tilespmem:s20], [sflag:$0x1], $0x1400, $0x38;
	[tilespmem:$0x7000] =	vst v63  }
0x1c: {  	_ =	swait.ge [sflag:s21], $0x1400  }
0x1d: {  	[sflag:s21] =	ssyncset.done $0x0  }
0x1e: {  	s5 =	sadd.s32 $0x1, s5;
	[sflag:s21] =	ssyncadd.s32 $0xFFFFEC00  }
0x1f: {  	p0 =	sne.s32 s5, s14;
	_ =	swait.ge [sflag:s21], $0x1400  }
.Ltmp2:
0x20: {  	[sflag:s21] =	ssyncset.done $0x0;
	(pc) =	sbr.rel @!p0 .LBB2_11-.Ltmp2, $4  }
0x21: {  	[sflag:s21] =	ssyncadd.s32 $0xFFFFEC00  }
0x22: {  	_ =	swait.ge [sflag:s21], $0x1400  }
0x23: {  	[sflag:s21] =	ssyncset.done $0x0  }
0x24: {  	[sflag:s21] =	ssyncadd.s32 $0xFFFFEC00  }
.LBB2_2:
0x25: {  	[tilespmem:s22], [sflag:$0x1] =	stream.linear.gather [hbm4b:s6+s22], $0x400, $0x38;
	[tilespmem:$0x7000] =	vst v63  }
0x26: {  	_ = 	snop  }
0x27: {  	[tilespmem:s15], [sflag:$0x1] =	stream.linear.gather [hbm4b:s7+s22], $0x400, $0x38;
	[tilespmem:$0x7000] =	vst v63  }
0x28: {  	_ = 	snop  }
0x29: {  	[tilespmem:s16], [sflag:$0x1] =	stream.linear.gather [hbm4b:s9+s22], $0x400, $0x38;
	[tilespmem:$0x7000] =	vst v63  }
0x2a: {  	_ = 	snop  }
0x2b: {  	[tilespmem:s17], [sflag:$0x1] =	stream.linear.gather [hbm4b:s1+s22], $0x1400, $0x38;
	[tilespmem:$0x7000] =	vst v63  }
0x2c: {  	_ = 	snop  }
0x2d: {  	[tilespmem:s18], [sflag:$0x1] =	stream.linear.gather [hbm4b:s3+s22], $0x1400, $0x38;
	[tilespmem:$0x7000] =	vst v63  }
0x2e: {  	_ = 	snop  }
0x2f: {  	[tilespmem:s19], [sflag:$0x1] =	stream.linear.gather [hbm4b:s10+s22], $0x1400, $0x38;
	[tilespmem:$0x7000] =	vst v63  }
0x30: {  	_ = 	snop  }
0x31: {  	[tilespmem:s20], [sflag:$0x1] =	stream.linear.gather [hbm4b:s11+s22], $0x1400, $0x38;
	[tilespmem:$0x7000] =	vst v63  }
0x32: {  	_ =	swait.ge [sflag:s21], $0x400  }
0x33: {  	[sflag:s21] =	ssyncset.done $0x0  }
0x34: {  	[sflag:s21] =	ssyncadd.s32 $0xFFFFFC00  }
0x35: {  	_ =	swait.ge [sflag:s21], $0x400  }
0x36: {  	[sflag:s21] =	ssyncset.done $0x0  }
0x37: {  	[sflag:s21] =	ssyncadd.s32 $0xFFFFFC00  }
0x38: {  	_ =	swait.ge [sflag:s21], $0x400  }
0x39: {  	[sflag:s21] =	ssyncset.done $0x0  }
0x3a: {  	[sflag:s21] =	ssyncadd.s32 $0xFFFFFC00  }
0x3b: {  	_ =	swait.ge [sflag:s21], $0x1400  }
0x3c: {  	[sflag:s21] =	ssyncset.done $0x0  }
0x3d: {  	[sflag:s21] =	ssyncadd.s32 $0xFFFFEC00  }
0x3e: {  	_ =	swait.ge [sflag:s21], $0x1400  }
0x3f: {  	[sflag:s21] =	ssyncset.done $0x0  }
0x40: {  	[sflag:s21] =	ssyncadd.s32 $0xFFFFEC00  }
0x41: {  	_ =	swait.ge [sflag:s21], $0x1400  }
.Ltmp3:
0x42: {  	[sflag:s21] =	ssyncset.done $0x0;
	(pc) =	sbr.rel .LBB2_3-.Ltmp3, $4  }
0x43: {  	[sflag:s21] =	ssyncadd.s32 $0xFFFFEC00  }
0x44: {  	_ =	swait.ge [sflag:s21], $0x1400  }
0x45: {  	[sflag:s21] =	ssyncset.done $0x0  }
0x46: {  	s25 =	simm.s32 $0x0;
	[sflag:s21] =	ssyncadd.s32 $0xFFFFEC00  }
.LBB2_9:
0x47: {  	s25 =	sadd.s32 $0x1, s25  }
0x48: {  	p0 =	sne.s32 s25, $0x40  }
.Ltmp4:
0x49: {  	_ = 	snop;
	(pc) =	sbr.rel @!p0 .LBB2_10-.Ltmp4, $1  }
0x4a: {  	_ =	sdelay $0x3  }
.LBB2_3:
0x4b: {  	v4 =	vld [tilespmem:$0x0]  }
0x4c: {  	v5 =	vld [tilespmem:$0x10]  }
0x4d: {  	v6 =	vld [tilespmem:$0x20]  }
0x4e: {  	v7 =	vld [tilespmem:$0x30];
	_ =	sdelay $0x2  }
0x4f: {  	v8 =	vmin.f32 v4, v5  }
0x50: {  	v8 =	vmin.f32 v8, v6  }
0x51: {  	v8 =	vmin.f32 v8, v7  }
0x52: {  	(xrf0) =	vmin.scan.msk.f32 $0xffff, v8;
	_ =	sdelay $0x1  }
0x53: {  	v9 =	vld [tilespmem:$0x410]  }
0x54: {  	v8 =	vld [tilespmem:$0x400];
	_ =	sdelay $0x1  }
0x55: {  	v10 =	vld [tilespmem:$0x420]  }
0x56: {  	v11, _, _ =	vpop (xrf0)  }
0x57: {  	v13 =	vld [tilespmem:$0x430];
	v15 =	vshll.u32 v9, $0x6;
	v12 =	vbroadcast v11, $0xF  }
0x58: {  	v15 =	vor.u32 v1, v15;
	v14 =	vshll.u32 v8, $0x6  }
0x59: {  	v14 =	vor.u32 v0, v14;
	vm0 =	veq.f32 v4, v12;
	vm1 =	veq.f32 v5, v12  }
0x5a: {  	v16 =	vshll.u32 v10, $0x6;
	v14 =	vnsel vm0, $0x40000000, v14;
	v15 =	vnsel vm1, $0x40000000, v15  }
0x5b: {  	v16 =	vor.u32 v2, v16;
	vm14 =	veq.f32 v6, v12;
	vm0 =	vlt.s32 v14, v15  }
0x5c: {  	v61 =	vshll.u32 v13, $0x6;
	v60 =	vnsel vm14, $0x40000000, v16;
	v14 =	vsel vm0, v14, v15  }
0x5d: {  	v62 =	vor.u32 v3, v61;
	vm15 =	veq.f32 v7, v12;
	vm1 =	vlt.s32 v14, v60  }
0x5e: {  	v12 =	vnsel vm15, $0x40000000, v62;
	v14 =	vsel vm1, v14, v60  }
0x5f: {  	vm0 =	vlt.s32 v14, v12  }
0x60: {  	v12 =	vsel vm0, v14, v12  }
0x61: {  	v12 =	vxor.u32 $0x80000000, v12  }
0x62: {  	(xrf0) =	vmin.scan.msk.u32 $0xffff, v12;
	_ =	sdelay $0x5  }
0x63: {  	(v2sf) =	vpush v11, $0xF;
	v63, _, _ =	vpop (xrf0)  }
0x64: {  	(v2sf) =	vpush v63, $0xF;
	_ =	sdelay $0xd  }
0x65: {  	s26 =	spop (v2sf)  }
0x66: {  	s28 =	spop (v2sf)  }
0x67: {  	p5 =	slt.f32 s26, $+Inf;
	s29 =	sxor.u32 $0x80000000, s28  }
0x68: {  	p1 =	sgt.s32 s28, $0xFFFFFFFF;
	s28 =	sand.u32 $0x3F, s28;
	p0 =	slt.s32 s29, $0x1  }
0x69: {  	s30 =	sshra.s32 s29, $0x1F;
	p4 =	sne.s32 s28, $0x0;
	p0 =	por p1, p0  }
0x6a: {  	p2 =	sgt.f32 s26, $+Inf;
	s30 =	sshrl.u32 s30, $0x1A;
	p0 =	por !p4, !p0  }
0x6b: {  	s28 =	simm.s32 $0x1;
	s31 =	sadd.s32 s30, s29;
	p0 =	por !p0, !p0  }
0x6c: {  	p6 =	por p2, p5;
	s26 =	sshra.s32 s31, $0x6;
	s28 =	simm.s32 @!p0 $0x0  }
0x6d: {  	p0 =	por !p6, !p6;
	s26 =	ssub.s32 s26, s28  }
0x6e: {  	s28 =	sshll.u32 @!p0 s26, $0x6  }
0x6f: {  	v12 =	vlaneseq.u32 @!p0;
	s28 =	ssub.s32 @!p0 s29, s28  }
0x70: {  	v14 =	vor.u32 @!p0 $0x10, v12;
	v11 =	vmov @!p0 s28  }
0x71: {  	vm2 =	veq.s32 @!p0 v8, s26;
	v8 =	vor.u32 @!p0 $0x20, v12;
	vm0 =	veq.s32 @!p0 v11, v12  }
0x72: {  	vm3 =	veq.s32 @!p0 v11, v8;
	v8 =	vor.u32 @!p0 $0x30, v12;
	v4 =	vsel @!p0 vm0, $0x7F800000, v4  }
0x73: {  	v6 =	vsel @!p0 vm3, $0x7F800000, v6;
	vm0 =	vlt.f32 @!p0 v4, $+Inf;
	vm1 =	vgt.f32 @!p0 v4, $+Inf  }
0x74: {  	vm4 =	veq.s32 @!p0 v11, v8;
	vm0 =	vmor @!p0 vm1, vm0;
	vm1 =	veq.s32 @!p0 v11, v14  }
0x75: {  	v8 =	vimm.s32 @!p0 $0x0;
	vm3 =	vgt.f32 @!p0 v6, $+Inf;
	v5 =	vsel @!p0 vm1, $0x7F800000, v5  }
0x76: {  	vm0 =	vmand @!p0 vm2, vm0;
	vm1 =	vlt.f32 @!p0 v5, $+Inf;
	vm2 =	vgt.f32 @!p0 v5, $+Inf  }
0x77: {  	v7 =	vsel @!p0 vm4, $0x7F800000, v7;
	vm1 =	vmor @!p0 vm2, vm1;
	vm2 =	veq.s32 @!p0 v9, s26  }
0x78: {  	vm4 =	vgt.f32 @!p0 v7, $+Inf;
	vm1 =	vmand @!p0 vm2, vm1;
	vm2 =	vlt.f32 @!p0 v6, $+Inf  }
0x79: {  	v9 =	vimm.s32 @!p0 $0x80000000;
	vm2 =	vmor @!p0 vm3, vm2;
	vm3 =	veq.s32 @!p0 v10, s26  }
0x7a: {  	v10 =	vsel @!p0 vm0, $0x1, v8;
	vm2 =	vmand @!p0 vm3, vm2;
	vm3 =	vlt.f32 @!p0 v7, $+Inf  }
0x7b: {  	vm0 =	veq.s32 @!p0 v13, s26;
	v9 =	vsel @!p0 vm1, $0x80000001, v9;
	vm3 =	vmor @!p0 vm4, vm3  }
0x7c: {  	v9 =	vadd.s32 @!p0 v10, v9;
	v12 =	vsel @!p0 vm2, $0x1, v8;
	vm0 =	vmand @!p0 vm0, vm3  }
0x7d: {  	v9 =	vadd.s32 @!p0 v12, v9;
	v8 =	vsel @!p0 vm0, $0x1, v8  }
0x7e: {  	v8 =	vadd.s32 @!p0 v8, v9  }
0x7f: {  	(xrf0) =	vmax.scan.msk.u32 @!p0 $0xffff, v8;
	_ =	sdelay $0x2  }
0x80: {  	v8 =	vmov @!p0 s26;
	_ =	sdelay $0x2  }
0x81: {  	v9, _, _ =	vpop @!p0 (xrf0)  }
0x82: {  	s28 =	simm.s32 @!p0 $0x2000;
	(v2sf) =	vpush @!p0 v9, $0xF  }
0x83: {  	[tilespmem:v8+s28+$0x0] =	vst.idx.msk @!p0 $0x1, v11;
	s28 =	simm.s32 @!p0 $0x1C00  }
0x84: {  	v9 =	vld.idx.msk @!p0 [tilespmem:v11+s28+$0x0], $0xffff;
	_ =	sdelay $0x3  }
0x85: {  	s28 =	simm.s32 @!p0 $0x3400  }
0x86: {  	[tilespmem:v8+s28+$0x0] =	vst.idx.msk @!p0 $0x1, v9;
	s28 =	simm.s32 @!p0 $0x4800  }
0x87: {  	v9 =	vld.idx.msk @!p0 [tilespmem:v8+s28+$0x0], $0xffff;
	_ =	sdelay $0x4  }
0x88: {  	v9 =	vadd.s32 @!p0 $0x3, v9  }
0x89: {  	[tilespmem:v8+s28+$0x0] =	vst.idx.msk @!p0 $0x1, v9;
	v9 =	vimm.f32 @!p0 $+Inf;
	s28 =	simm.s32 @!p0 $0x800  }
0x8a: {  	[tilespmem:v8+s28+$0x0] =	vst.idx.msk @!p0 $0x1, v9;
	s28 =	spop @!p0 (v2sf)  }
0x8b: {  	p1 =	slt.u32 @!p0 s28, $0x80000001  }
0x8c: {  	p1 =	por p0, p1  }
.Ltmp5:
0x8d: {  	_ = 	snop;
	(pc) =	sbr.rel @p1 .LBB2_9-.Ltmp5, $4  }
.Ltmp6:
0x8e: {  	[tilespmem:$0x0] =	vst @!p0 v4;
	(pc) =	sbr.rel @!p1 .LBB2_4-.Ltmp6, $4  }
0x8f: {  	[tilespmem:$0x10] =	vst @!p0 v5  }
0x90: {  	[tilespmem:$0x20] =	vst @!p0 v6  }
0x91: {  	[tilespmem:$0x30] =	vst @!p0 v7;
	s28 =	simm.s32 @!p0 $0x0  }
0x92: {  	_ = 	snop  }
.LBB2_8:
0x93: {  	s28 =	sadd.s32 $0x1, s28  }
0x94: {  	p0 =	sne.s32 s28, $0x40  }
.Ltmp7:
0x95: {  	_ = 	snop;
	(pc) =	sbr.rel @!p0 .LBB2_9-.Ltmp7, $1  }
0x96: {  	_ =	sdelay $0x3  }
.LBB2_4:
0x97: {  	v4 =	vmov s28;
	_ =	sdelay $0x4  }
0x98: {  	v5 =	vld.idx.msk [tilespmem:v4+s22+$0x0], $0xffff;
	_ =	sdelay $0x1  }
0x99: {  	v6 =	vld.idx.msk [tilespmem:v4+s15+$0x0], $0xffff;
	_ =	sdelay $0x2  }
0x9a: {  	(xrf0) =	vmin.scan.msk.f32 $0xffff, v5;
	_ =	sdelay $0x1  }
0x9b: {  	v5 =	vxor.u32 $0x80000000, v6  }
0x9c: {  	(xrf0) =	vmin.scan.msk.u32 $0xffff, v5;
	_ =	sdelay $0x2  }
0x9d: {  	v5, _, _ =	vpop (xrf0)  }
0x9e: {  	(v2sf) =	vpush v5, $0xF;
	_ =	sdelay $0x1  }
0x9f: {  	v5, _, _ =	vpop (xrf0)  }
0xa0: {  	(v2sf) =	vpush v5, $0xF;
	_ =	sdelay $0xb  }
0xa1: {  	s29 =	spop (v2sf)  }
0xa2: {  	p0 =	slt.f32 s29, $+Inf;
	p1 =	sgt.f32 s29, $+Inf  }
0xa3: {  	_ = 	snop  }
0xa4: {  	s31 =	spop (v2sf);
	p0 =	por p1, p0  }
0xa5: {  	s29 =	sxor.u32 s26, s31;
	p0 =	por !p0, !p0  }
0xa6: {  	p1 =	sne.s32 @!p0 s29, $0x80000000  }
0xa7: {  	p0 =	por p0, p1  }
.Ltmp8:
0xa8: {  	_ = 	snop;
	(pc) =	sbr.rel @p0 .LBB2_8-.Ltmp8, $1  }
0xa9: {  	_ =	sdelay $0x3  }
0xaa: {  	s29 =	smul.u32 $0x280, s28  }
0xab: {  	s30 =	simm.s32 $0x0  }
0xac: {  	v5 =	vor.u32 s30, v0;
	s29 =	sadd.s32 s8, s29  }
0xad: {  	[tilespmem:s23], [sflag:$0x2] =	stream.linear.gather [hbm4b:s29+s30], $0x1400, $0x38;
	[tilespmem:$0x7000] =	vst v63  }
0xae: {  	_ =	swait.ge [sflag:s24], $0x1400  }
0xaf: {  	[sflag:s24] =	ssyncset.done $0x0  }
0xb0: {  	s29 =	simm.s32 $0x10;
	[sflag:s24] =	ssyncadd.s32 $0xFFFFEC00  }
0xb1: {  	v8 =	vor.u32 s29, v0;
	v12 =	vld.idx.msk [tilespmem:v5+s23+$0x0], $0xffff  }
0xb2: {  	v10 =	vld.idx.msk [tilespmem:v5+s17+$0x0], $0xffff;
	_ =	sdelay $0x3  }
0xb3: {  	v9 =	vimm.f32 $+Inf;
	v6 =	vimm.s32 $0x40000000;
	s29 =	simm.s32 $0x20;
	v7 =	vmov v8;
	v11 =	vld.idx.msk [tilespmem:v8+s23+$0x0], $0xffff  }
.LBB2_6:
0xb4: {  	v12 =	vadd.f32 v10, v12;
	v10 =	vld.idx.msk [tilespmem:v8+s17+$0x0], $0xffff;
	v8 =	vor.u32 s29, v0;
	p0 =	sne.s32 s29, $0x13F0  }
.Ltmp9:
0xb5: {  	s29 =	sadd.s32 $0x10, s29;
	(pc) =	sbr.rel @p0 .LBB2_6-.Ltmp9, $3  }
0xb6: {  	vm0 =	vlt.f32 v12, v9  }
0xb7: {  	v6 =	vsel vm0, v5, v6;
	v9 =	vsel vm0, v12, v9;
	v5 =	vmovc v7;
	v7 =	vmov v8;
	_ =	sdelay $0x1  }
0xb8: {  	v12 =	vmov v11;
	v11 =	vld.idx.msk [tilespmem:v8+s23+$0x0], $0xffff  }
0xb9: {  	_ =	sdelay $0x3  }
0xba: {  	v8 =	vld.idx.msk [tilespmem:v8+s17+$0x0], $0xffff;
	_ =	sdelay $0x2  }
0xbb: {  	v10 =	vadd.f32 v10, v12;
	_ =	sdelay $0x1  }
0xbc: {  	vm0 =	vlt.f32 v10, v9;
	v8 =	vadd.f32 v8, v11  }
0xbd: {  	v9 =	vsel vm0, v10, v9  }
0xbe: {  	vm1 =	vlt.f32 v8, v9  }
0xbf: {  	v8 =	vsel vm1, v8, v9  }
0xc0: {  	(xrf0) =	vmin.scan.msk.f32 $0xffff, v8;
	_ =	sdelay $0x5  }
0xc1: {  	v62, _, _ =	vpop (xrf0)  }
0xc2: {  	v5 =	vsel vm0, v5, v6;
	v63 =	vbroadcast v62, $0xF  }
0xc3: {  	v5 =	vsel vm1, v7, v5  }
0xc4: {  	v5 =	vxor.u32 $0x80000000, v5;
	vm15 =	veq.f32 v8, v63  }
0xc5: {  	v5 =	vnsel vm15, $0xC0000000, v5  }
0xc6: {  	(xrf0) =	vmin.scan.msk.u32 $0xffff, v5;
	_ =	sdelay $0x5  }
0xc7: {  	v5, _, _ =	vpop (xrf0)  }
0xc8: {  	(v2sf) =	vpush v5, $0xF;
	_ =	sdelay $0xd  }
.Ltmp10:
0xc9: {  	_ = 	snop;
	(pc) =	sbr.rel .LBB2_8-.Ltmp10, $4  }
0xca: {  	s29 =	spop (v2sf)  }
0xcb: {  	s29 =	sxor.u32 $0x80000000, s29  }
0xcc: {  	[tilespmem:v4+s22+$0x0] =	vst.idx.msk $0x1, v63;
	v5 =	vmov s29  }
0xcd: {  	[tilespmem:v4+s15+$0x0] =	vst.idx.msk $0x1, v5  }
.Lfunc_end2:
_tile_overlayer_lowered:
.L_overlay_start_2:
0xce: {  	(tag) =	ssettag $0x2  }
0xcf: {  	s0 =	rddreg [dreg:$0x0];
	s2 =	stileid.u32  }
0xd0: {  	s1 =	rddreg [dreg:$0x1];
	p0 =	sne.s32 s2, $0x0  }
0xd1: {  	s3 =	rddreg [dreg:$0x2];
	[bflag:$0x3] =	sbarrier.arrive $0xFFFF;
	s2 =	simm.s32 @!p0 $0x1C02  }
0xd2: {  	[timem:s3], [sflag:s2] =	dma.local @!p0 [hbm:s0], s1  }
0xd3: {  	s0 =	simm.s32 @!p0 $0x2  }
0xd4: {  	_ =	swait.ge @!p0 [sflag:s0], s1  }
0xd5: {  	s1 =	ssub.s32 @!p0 $0x0, s1;
	[sflag:s0] =	ssyncset.done @!p0 $0x0  }
0xd6: {  	[sflag:s0] =	ssyncadd.s32 @!p0 s1  }
0xd7: {  	[bflag:$0x3] =	sbarrier.arrive $0xFFFF  }
0xd8: {  	_ =	shalt  }

</sc_bundles>
